<compile_context>
chip_gen: v7x
topology: tpu7x:2x2x1
jax: 0.10.2.dev20260603
libtpu: 0.0.44.dev20260713+nightly
codegen_flags: <defaults>
</compile_context>

<pallas_src>
import functools

import jax
import jax.numpy as jnp
from jax import lax
from jax.experimental import pallas as pl
from jax.experimental.pallas import tpu as pltpu
from jax.experimental.pallas import tpu_sc as plsc

N_NODES = 10000
D_FEAT = 128
N_EDGES = 320000

NC = 2
NS = 16
NW = NC * NS

N_PAD = 10240
ROWS_PER_TILE = N_PAD // NS
DUMP_ROW = N_NODES + 128

CHUNK = 128
NBUF = 2
CPT = 80
E_PAD = NW * CPT * CHUNK


@functools.partial(
    pl.kernel,
    out_type=(
        jax.ShapeDtypeStruct((NC * N_PAD, D_FEAT), jnp.float32),
        jax.ShapeDtypeStruct((NC * N_PAD,), jnp.float32),
    ),
    mesh=plsc.VectorSubcoreMesh(
        core_axis_name="c", subcore_axis_name="s", num_cores=NC, num_subcores=NS
    ),
    scratch_types=(
        [pltpu.VMEM((CHUNK,), jnp.int32) for _ in range(NBUF)]
        + [pltpu.VMEM((CHUNK,), jnp.int32) for _ in range(NBUF)]
        + [pltpu.VMEM((CHUNK, D_FEAT), jnp.float32) for _ in range(NBUF)]
        + [
            pltpu.VMEM((CHUNK,), jnp.float32),
            pltpu.VMEM((ROWS_PER_TILE,), jnp.float32),
            pltpu.VMEM_SHARED((N_PAD, D_FEAT), jnp.float32),
            pltpu.VMEM_SHARED((N_PAD,), jnp.float32),
        ]
        + [pltpu.SemaphoreType.DMA for _ in range(NBUF)]
    ),
)
def _sc_aggregate(x_hbm, src_hbm, dst_hbm, zrows_hbm, ones_hbm, zdeg_hbm,
                  part_out, deg_out, *refs):
    srcs = refs[0:NBUF]
    dsts = refs[NBUF:2 * NBUF]
    bufs = refs[2 * NBUF:3 * NBUF]
    ones_v, dstage_v, acc_sh, dacc_sh = refs[3 * NBUF:3 * NBUF + 4]
    sems = refs[3 * NBUF + 4:]

    c = lax.axis_index("c")
    s = lax.axis_index("s")
    w = c * NS + s

    pltpu.sync_copy(zrows_hbm.at[pl.ds(0, CHUNK), :], bufs[0])
    pltpu.sync_copy(ones_hbm.at[pl.ds(0, CHUNK)], ones_v)
    pltpu.sync_copy(zdeg_hbm.at[pl.ds(0, ROWS_PER_TILE)], dstage_v)

    row0 = s * ROWS_PER_TILE
    for k in range(ROWS_PER_TILE // CHUNK):
        pltpu.sync_copy(bufs[0], acc_sh.at[pl.ds(row0 + k * CHUNK, CHUNK), :])
    pltpu.sync_copy(dstage_v, dacc_sh.at[pl.ds(row0, ROWS_PER_TILE)])
    plsc.subcore_barrier()

    ebase = w * CPT * CHUNK

    for b in range(NBUF):
        e = ebase + b * CHUNK
        pltpu.sync_copy(src_hbm.at[pl.ds(e, CHUNK)], srcs[b])
        pltpu.sync_copy(dst_hbm.at[pl.ds(e, CHUNK)], dsts[b])
        pltpu.async_copy(x_hbm.at[srcs[b]], bufs[b], sems[b])

    def ring_body(i, carry):
        for b in range(NBUF):
            g = NBUF * i + b
            pltpu.make_async_copy(x_hbm.at[srcs[b]], bufs[b], sems[b]).wait()
            pltpu.sync_copy(bufs[b], acc_sh.at[dsts[b]], add=True)
            pltpu.sync_copy(ones_v, dacc_sh.at[dsts[b]], add=True)
            e = ebase + (g + NBUF) * CHUNK
            pltpu.sync_copy(src_hbm.at[pl.ds(e, CHUNK)], srcs[b])
            pltpu.sync_copy(dst_hbm.at[pl.ds(e, CHUNK)], dsts[b])
            pltpu.async_copy(x_hbm.at[srcs[b]], bufs[b], sems[b])
        return carry

    lax.fori_loop(0, (CPT - NBUF) // NBUF, ring_body, 0)

    for b in range(NBUF):
        pltpu.make_async_copy(x_hbm.at[srcs[b]], bufs[b], sems[b]).wait()
        pltpu.sync_copy(bufs[b], acc_sh.at[dsts[b]], add=True)
        pltpu.sync_copy(ones_v, dacc_sh.at[dsts[b]], add=True)

    plsc.subcore_barrier()

    obase = c * N_PAD + row0
    for k in range(ROWS_PER_TILE // CHUNK):
        r = row0 + k * CHUNK
        o = obase + k * CHUNK
        pltpu.sync_copy(acc_sh.at[pl.ds(r, CHUNK), :], bufs[0])
        pltpu.sync_copy(bufs[0], part_out.at[pl.ds(o, CHUNK), :])
    pltpu.sync_copy(dacc_sh.at[pl.ds(row0, ROWS_PER_TILE)], dstage_v)
    pltpu.sync_copy(dstage_v, deg_out.at[pl.ds(obase, ROWS_PER_TILE)])


_BLK = 512


def _combine_body(p_ref, d_ref, o_ref):
    p0 = p_ref[0]
    p1 = p_ref[1]
    deg = d_ref[0] + d_ref[1]
    o_ref[...] = (p0 + p1) / jnp.maximum(deg, 1.0)


_combine = pl.pallas_call(
    _combine_body,
    grid=(20,),
    in_specs=[
        pl.BlockSpec((NC, _BLK, D_FEAT), lambda i: (0, i, 0)),
        pl.BlockSpec((NC, _BLK, 1), lambda i: (0, i, 0)),
    ],
    out_specs=pl.BlockSpec((_BLK, D_FEAT), lambda i: (i, 0)),
    out_shape=jax.ShapeDtypeStruct((N_NODES, D_FEAT), jnp.float32),
)


def kernel(x, edge_index):
    src = edge_index[0].astype(jnp.int32)
    dst = edge_index[1].astype(jnp.int32)
    npad = E_PAD - N_EDGES
    pidx = jnp.arange(npad, dtype=jnp.int32)
    src = jnp.concatenate([src, pidx % N_NODES])
    dst = jnp.concatenate([dst, DUMP_ROW + (pidx % (N_PAD - DUMP_ROW))])
    zrows = jnp.zeros((CHUNK, D_FEAT), jnp.float32)
    ones = jnp.ones((CHUNK,), jnp.float32)
    zdeg = jnp.zeros((N_PAD,), jnp.float32)
    part, deg = _sc_aggregate(x, src, dst, zrows, ones, zdeg)
    part = part.reshape(NC, N_PAD, D_FEAT)
    deg = deg.reshape(NC, N_PAD, 1)
    return _combine(part, deg)

# --- scband reference (transcript-rebuilt; emitter-appended) ---
"""Pipeline reference for scband-sageconv-59390807769607 (READ-ONLY COPY).

The authoritative reference and input builder live on the scoring server;
editing this copy changes nothing except your own understanding.
"""

import jax, jax.numpy as jnp
import numpy as np

N_NODES = 10000
N_EDGES = 320000
D_FEAT = 128

def setup_inputs(seed: int = 0) -> dict:
    key = jax.random.key(seed)
    k1, k2, k3 = jax.random.split(key, 3)
    x = jax.random.normal(k1, (N_NODES, D_FEAT), dtype=jnp.float32)
    src = jax.random.randint(k2, (N_EDGES,), 0, N_NODES, dtype=jnp.int64)
    dst = jax.random.randint(k3, (N_EDGES,), 0, N_NODES, dtype=jnp.int64)
    edge_index = jnp.stack([src, dst], axis=0)
    return {"x": x, "edge_index": edge_index}

def reference(x, edge_index):
    # dgl.ops.copy_u_mean: gather source-node features along edges,
    # mean-reduce onto destination nodes. Zero-degree nodes get 0.
    src = edge_index[0]
    dst = edge_index[1]
    n_nodes = x.shape[0]
    msgs = jnp.take(x, src, axis=0)                                   # gather [E, d]
    summed = jax.ops.segment_sum(msgs, dst, num_segments=n_nodes)     # scatter-add [N, d]
    deg = jax.ops.segment_sum(jnp.ones((msgs.shape[0],), dtype=x.dtype), dst, num_segments=n_nodes)
    out = summed / jnp.maximum(deg, 1.0)[:, None]
    return out

if __name__ == "__main__":
    import jax
    _d = setup_inputs()
    print(jax.jit(kernel)(*tuple(_d.values())))

</pallas_src>

<mosaic_0001>
#map = affine_map<(d0, d1) -> (0, 0)>
#map1 = affine_map<(d0, d1) -> (0)>
module attributes {stable_mosaic.version = 14 : i64} {
  func.func @_sc_aggregate(%arg0: i32, %arg1: i32, %arg2: memref<10000x128xf32, #tpu.memory_space<hbm>>, %arg3: memref<327680xi32, #tpu.memory_space<hbm>>, %arg4: memref<327680xi32, #tpu.memory_space<hbm>>, %arg5: memref<128x128xf32, #tpu.memory_space<hbm>>, %arg6: memref<128xf32, #tpu.memory_space<hbm>>, %arg7: memref<10240xf32, #tpu.memory_space<hbm>>, %arg8: memref<20480x128xf32, #tpu.memory_space<hbm>>, %arg9: memref<20480xf32, #tpu.memory_space<hbm>>, %arg10: memref<128xi32, #tpu.memory_space<vmem>>, %arg11: memref<128xi32, #tpu.memory_space<vmem>>, %arg12: memref<128xi32, #tpu.memory_space<vmem>>, %arg13: memref<128xi32, #tpu.memory_space<vmem>>, %arg14: memref<128x128xf32, #tpu.memory_space<vmem>>, %arg15: memref<128x128xf32, #tpu.memory_space<vmem>>, %arg16: memref<128xf32, #tpu.memory_space<vmem>>, %arg17: memref<640xf32, #tpu.memory_space<vmem>>, %arg18: memref<10240x128xf32, #tpu.memory_space<vmem_shared>>, %arg19: memref<10240xf32, #tpu.memory_space<vmem_shared>>, %arg20: memref<!tpu.dma_semaphore, #tpu.memory_space<semaphore_mem>>, %arg21: memref<!tpu.dma_semaphore, #tpu.memory_space<semaphore_mem>>) attributes {dimension_semantics = [#tpu.dimension_semantics<core_parallel>, #tpu.dimension_semantics<subcore_parallel>], iteration_bounds = array<i64: 2, 16>, scalar_prefetch = 0 : i64, scratch_operands = 12 : i64, tpu.core_type = #tpu.core_type<sc_vector_subcore>, window_params = [{transform_indices = #map}, {transform_indices = #map1}, {transform_indices = #map1}, {transform_indices = #map}, {transform_indices = #map1}, {transform_indices = #map1}, {transform_indices = #map}, {transform_indices = #map1}]} {
    %mul3A = arith.constant 16 : i32
    %mul3A_0 = arith.muli %arg0, %mul3A : i32
    %add3A = arith.addi %mul3A_0, %arg1 : i32
    "tpu.region"() ({
      %run_scoped3A = tpu.sem_alloc : memref<!tpu.dma_semaphore, #tpu.memory_space<semaphore_mem>>
      %dma_start3A_60 = arith.constant 0 : i32
      %dma_start3A_61 = arith.constant 0 : i32
      %dma_start3A_62 = tpu.memref_slice %arg5[%dma_start3A_60, %dma_start3A_61] : memref<128x128xf32, #tpu.memory_space<hbm>> -> memref<128x128xf32, #tpu.memory_space<hbm>>
      %dma_start3A_63 = arith.constant 0 : i32
      %dma_start3A_64 = arith.constant 0 : i32
      %dma_start3A_65 = tpu.memref_slice %arg5[%dma_start3A_63, %dma_start3A_64] : memref<128x128xf32, #tpu.memory_space<hbm>> -> memref<128x128xf32, #tpu.memory_space<hbm>>
      tpu.enqueue_dma source(%dma_start3A_65 : memref<128x128xf32, #tpu.memory_space<hbm>>) target(%arg14 : memref<128x128xf32, #tpu.memory_space<vmem>>) target_semaphore(%run_scoped3A : memref<!tpu.dma_semaphore, #tpu.memory_space<semaphore_mem>>)
      %dma_wait3A_66 = arith.constant 0 : i32
      %dma_wait3A_67 = arith.constant 0 : i32
      %dma_wait3A_68 = tpu.memref_slice %arg5[%dma_wait3A_66, %dma_wait3A_67] : memref<128x128xf32, #tpu.memory_space<hbm>> -> memref<128x128xf32, #tpu.memory_space<hbm>>
      %dma_wait3A_69 = arith.constant 0 : i32
      %dma_wait3A_70 = arith.constant 0 : i32
      %dma_wait3A_71 = tpu.memref_slice %arg5[%dma_wait3A_69, %dma_wait3A_70] : memref<128x128xf32, #tpu.memory_space<hbm>> -> memref<128x128xf32, #tpu.memory_space<hbm>>
      tpu.wait_dma2 semaphore(%run_scoped3A : memref<!tpu.dma_semaphore, #tpu.memory_space<semaphore_mem>>) src(%dma_wait3A_71 : memref<128x128xf32, #tpu.memory_space<hbm>>) dst(%arg14 : memref<128x128xf32, #tpu.memory_space<vmem>>)
      tpu.yield
    }) : () -> ()
    "tpu.region"() ({
      %run_scoped3A = tpu.sem_alloc : memref<!tpu.dma_semaphore, #tpu.memory_space<semaphore_mem>>
      %dma_start3A_60 = arith.constant 0 : i32
      %dma_start3A_61 = tpu.memref_slice %arg6[%dma_start3A_60] : memref<128xf32, #tpu.memory_space<hbm>> -> memref<128xf32, #tpu.memory_space<hbm>>
      %dma_start3A_62 = arith.constant 0 : i32
      %dma_start3A_63 = tpu.memref_slice %arg6[%dma_start3A_62] : memref<128xf32, #tpu.memory_space<hbm>> -> memref<128xf32, #tpu.memory_space<hbm>>
      tpu.enqueue_dma source(%dma_start3A_63 : memref<128xf32, #tpu.memory_space<hbm>>) target(%arg16 : memref<128xf32, #tpu.memory_space<vmem>>) target_semaphore(%run_scoped3A : memref<!tpu.dma_semaphore, #tpu.memory_space<semaphore_mem>>)
      %dma_wait3A_64 = arith.constant 0 : i32
      %dma_wait3A_65 = tpu.memref_slice %arg6[%dma_wait3A_64] : memref<128xf32, #tpu.memory_space<hbm>> -> memref<128xf32, #tpu.memory_space<hbm>>
      %dma_wait3A_66 = arith.constant 0 : i32
      %dma_wait3A_67 = tpu.memref_slice %arg6[%dma_wait3A_66] : memref<128xf32, #tpu.memory_space<hbm>> -> memref<128xf32, #tpu.memory_space<hbm>>
      tpu.wait_dma2 semaphore(%run_scoped3A : memref<!tpu.dma_semaphore, #tpu.memory_space<semaphore_mem>>) src(%dma_wait3A_67 : memref<128xf32, #tpu.memory_space<hbm>>) dst(%arg16 : memref<128xf32, #tpu.memory_space<vmem>>)
      tpu.yield
    }) : () -> ()
    "tpu.region"() ({
      %run_scoped3A = tpu.sem_alloc : memref<!tpu.dma_semaphore, #tpu.memory_space<semaphore_mem>>
      %dma_start3A_60 = arith.constant 0 : i32
      %dma_start3A_61 = tpu.memref_slice %arg7[%dma_start3A_60] : memref<10240xf32, #tpu.memory_space<hbm>> -> memref<640xf32, #tpu.memory_space<hbm>>
      %dma_start3A_62 = arith.constant 0 : i32
      %dma_start3A_63 = tpu.memref_slice %arg7[%dma_start3A_62] : memref<10240xf32, #tpu.memory_space<hbm>> -> memref<640xf32, #tpu.memory_space<hbm>>
      tpu.enqueue_dma source(%dma_start3A_63 : memref<640xf32, #tpu.memory_space<hbm>>) target(%arg17 : memref<640xf32, #tpu.memory_space<vmem>>) target_semaphore(%run_scoped3A : memref<!tpu.dma_semaphore, #tpu.memory_space<semaphore_mem>>)
      %dma_wait3A_64 = arith.constant 0 : i32
      %dma_wait3A_65 = tpu.memref_slice %arg7[%dma_wait3A_64] : memref<10240xf32, #tpu.memory_space<hbm>> -> memref<640xf32, #tpu.memory_space<hbm>>
      %dma_wait3A_66 = arith.constant 0 : i32
      %dma_wait3A_67 = tpu.memref_slice %arg7[%dma_wait3A_66] : memref<10240xf32, #tpu.memory_space<hbm>> -> memref<640xf32, #tpu.memory_space<hbm>>
      tpu.wait_dma2 semaphore(%run_scoped3A : memref<!tpu.dma_semaphore, #tpu.memory_space<semaphore_mem>>) src(%dma_wait3A_67 : memref<640xf32, #tpu.memory_space<hbm>>) dst(%arg17 : memref<640xf32, #tpu.memory_space<vmem>>)
      tpu.yield
    }) : () -> ()
    %mul3A_1 = arith.constant 640 : i32
    %mul3A_2 = arith.muli %arg1, %mul3A_1 : i32
    %add3A_3 = arith.constant 0 : i32
    %add3A_4 = arith.addi %mul3A_2, %add3A_3 : i32
    "tpu.region"() ({
      %run_scoped3A = tpu.sem_alloc : memref<!tpu.dma_semaphore, #tpu.memory_space<semaphore_mem>>
      %dma_start3A_60 = arith.constant 0 : i32
      %dma_start3A_61 = tpu.memref_slice %arg18[%add3A_4, %dma_start3A_60] : memref<10240x128xf32, #tpu.memory_space<vmem_shared>> -> memref<128x128xf32, #tpu.memory_space<vmem_shared>>
      %dma_start3A_62 = arith.constant 0 : i32
      %dma_start3A_63 = tpu.memref_slice %arg18[%add3A_4, %dma_start3A_62] : memref<10240x128xf32, #tpu.memory_space<vmem_shared>> -> memref<128x128xf32, #tpu.memory_space<vmem_shared>>
      tpu.enqueue_dma source(%arg14 : memref<128x128xf32, #tpu.memory_space<vmem>>) target(%dma_start3A_63 : memref<128x128xf32, #tpu.memory_space<vmem_shared>>) target_semaphore(%run_scoped3A : memref<!tpu.dma_semaphore, #tpu.memory_space<semaphore_mem>>)
      %dma_wait3A_64 = arith.constant 0 : i32
      %dma_wait3A_65 = tpu.memref_slice %arg18[%add3A_4, %dma_wait3A_64] : memref<10240x128xf32, #tpu.memory_space<vmem_shared>> -> memref<128x128xf32, #tpu.memory_space<vmem_shared>>
      %dma_wait3A_66 = arith.constant 0 : i32
      %dma_wait3A_67 = tpu.memref_slice %arg18[%add3A_4, %dma_wait3A_66] : memref<10240x128xf32, #tpu.memory_space<vmem_shared>> -> memref<128x128xf32, #tpu.memory_space<vmem_shared>>
      tpu.wait_dma2 semaphore(%run_scoped3A : memref<!tpu.dma_semaphore, #tpu.memory_space<semaphore_mem>>) src(%arg14 : memref<128x128xf32, #tpu.memory_space<vmem>>) dst(%dma_wait3A_67 : memref<128x128xf32, #tpu.memory_space<vmem_shared>>)
      tpu.yield
    }) : () -> ()
    %add3A_5 = arith.constant 128 : i32
    %add3A_6 = arith.addi %mul3A_2, %add3A_5 : i32
    "tpu.region"() ({
      %run_scoped3A = tpu.sem_alloc : memref<!tpu.dma_semaphore, #tpu.memory_space<semaphore_mem>>
      %dma_start3A_60 = arith.constant 0 : i32
      %dma_start3A_61 = tpu.memref_slice %arg18[%add3A_6, %dma_start3A_60] : memref<10240x128xf32, #tpu.memory_space<vmem_shared>> -> memref<128x128xf32, #tpu.memory_space<vmem_shared>>
      %dma_start3A_62 = arith.constant 0 : i32
      %dma_start3A_63 = tpu.memref_slice %arg18[%add3A_6, %dma_start3A_62] : memref<10240x128xf32, #tpu.memory_space<vmem_shared>> -> memref<128x128xf32, #tpu.memory_space<vmem_shared>>
      tpu.enqueue_dma source(%arg14 : memref<128x128xf32, #tpu.memory_space<vmem>>) target(%dma_start3A_63 : memref<128x128xf32, #tpu.memory_space<vmem_shared>>) target_semaphore(%run_scoped3A : memref<!tpu.dma_semaphore, #tpu.memory_space<semaphore_mem>>)
      %dma_wait3A_64 = arith.constant 0 : i32
      %dma_wait3A_65 = tpu.memref_slice %arg18[%add3A_6, %dma_wait3A_64] : memref<10240x128xf32, #tpu.memory_space<vmem_shared>> -> memref<128x128xf32, #tpu.memory_space<vmem_shared>>
      %dma_wait3A_66 = arith.constant 0 : i32
      %dma_wait3A_67 = tpu.memref_slice %arg18[%add3A_6, %dma_wait3A_66] : memref<10240x128xf32, #tpu.memory_space<vmem_shared>> -> memref<128x128xf32, #tpu.memory_space<vmem_shared>>
      tpu.wait_dma2 semaphore(%run_scoped3A : memref<!tpu.dma_semaphore, #tpu.memory_space<semaphore_mem>>) src(%arg14 : memref<128x128xf32, #tpu.memory_space<vmem>>) dst(%dma_wait3A_67 : memref<128x128xf32, #tpu.memory_space<vmem_shared>>)
      tpu.yield
    }) : () -> ()
    %add3A_7 = arith.constant 256 : i32
    %add3A_8 = arith.addi %mul3A_2, %add3A_7 : i32
    "tpu.region"() ({
      %run_scoped3A = tpu.sem_alloc : memref<!tpu.dma_semaphore, #tpu.memory_space<semaphore_mem>>
      %dma_start3A_60 = arith.constant 0 : i32
      %dma_start3A_61 = tpu.memref_slice %arg18[%add3A_8, %dma_start3A_60] : memref<10240x128xf32, #tpu.memory_space<vmem_shared>> -> memref<128x128xf32, #tpu.memory_space<vmem_shared>>
      %dma_start3A_62 = arith.constant 0 : i32
      %dma_start3A_63 = tpu.memref_slice %arg18[%add3A_8, %dma_start3A_62] : memref<10240x128xf32, #tpu.memory_space<vmem_shared>> -> memref<128x128xf32, #tpu.memory_space<vmem_shared>>
      tpu.enqueue_dma source(%arg14 : memref<128x128xf32, #tpu.memory_space<vmem>>) target(%dma_start3A_63 : memref<128x128xf32, #tpu.memory_space<vmem_shared>>) target_semaphore(%run_scoped3A : memref<!tpu.dma_semaphore, #tpu.memory_space<semaphore_mem>>)
      %dma_wait3A_64 = arith.constant 0 : i32
      %dma_wait3A_65 = tpu.memref_slice %arg18[%add3A_8, %dma_wait3A_64] : memref<10240x128xf32, #tpu.memory_space<vmem_shared>> -> memref<128x128xf32, #tpu.memory_space<vmem_shared>>
      %dma_wait3A_66 = arith.constant 0 : i32
      %dma_wait3A_67 = tpu.memref_slice %arg18[%add3A_8, %dma_wait3A_66] : memref<10240x128xf32, #tpu.memory_space<vmem_shared>> -> memref<128x128xf32, #tpu.memory_space<vmem_shared>>
      tpu.wait_dma2 semaphore(%run_scoped3A : memref<!tpu.dma_semaphore, #tpu.memory_space<semaphore_mem>>) src(%arg14 : memref<128x128xf32, #tpu.memory_space<vmem>>) dst(%dma_wait3A_67 : memref<128x128xf32, #tpu.memory_space<vmem_shared>>)
      tpu.yield
    }) : () -> ()
    %add3A_9 = arith.constant 384 : i32
    %add3A_10 = arith.addi %mul3A_2, %add3A_9 : i32
    "tpu.region"() ({
      %run_scoped3A = tpu.sem_alloc : memref<!tpu.dma_semaphore, #tpu.memory_space<semaphore_mem>>
      %dma_start3A_60 = arith.constant 0 : i32
      %dma_start3A_61 = tpu.memref_slice %arg18[%add3A_10, %dma_start3A_60] : memref<10240x128xf32, #tpu.memory_space<vmem_shared>> -> memref<128x128xf32, #tpu.memory_space<vmem_shared>>
      %dma_start3A_62 = arith.constant 0 : i32
      %dma_start3A_63 = tpu.memref_slice %arg18[%add3A_10, %dma_start3A_62] : memref<10240x128xf32, #tpu.memory_space<vmem_shared>> -> memref<128x128xf32, #tpu.memory_space<vmem_shared>>
      tpu.enqueue_dma source(%arg14 : memref<128x128xf32, #tpu.memory_space<vmem>>) target(%dma_start3A_63 : memref<128x128xf32, #tpu.memory_space<vmem_shared>>) target_semaphore(%run_scoped3A : memref<!tpu.dma_semaphore, #tpu.memory_space<semaphore_mem>>)
      %dma_wait3A_64 = arith.constant 0 : i32
      %dma_wait3A_65 = tpu.memref_slice %arg18[%add3A_10, %dma_wait3A_64] : memref<10240x128xf32, #tpu.memory_space<vmem_shared>> -> memref<128x128xf32, #tpu.memory_space<vmem_shared>>
      %dma_wait3A_66 = arith.constant 0 : i32
      %dma_wait3A_67 = tpu.memref_slice %arg18[%add3A_10, %dma_wait3A_66] : memref<10240x128xf32, #tpu.memory_space<vmem_shared>> -> memref<128x128xf32, #tpu.memory_space<vmem_shared>>
      tpu.wait_dma2 semaphore(%run_scoped3A : memref<!tpu.dma_semaphore, #tpu.memory_space<semaphore_mem>>) src(%arg14 : memref<128x128xf32, #tpu.memory_space<vmem>>) dst(%dma_wait3A_67 : memref<128x128xf32, #tpu.memory_space<vmem_shared>>)
      tpu.yield
    }) : () -> ()
    %add3A_11 = arith.constant 512 : i32
    %add3A_12 = arith.addi %mul3A_2, %add3A_11 : i32
    "tpu.region"() ({
      %run_scoped3A = tpu.sem_alloc : memref<!tpu.dma_semaphore, #tpu.memory_space<semaphore_mem>>
      %dma_start3A_60 = arith.constant 0 : i32
      %dma_start3A_61 = tpu.memref_slice %arg18[%add3A_12, %dma_start3A_60] : memref<10240x128xf32, #tpu.memory_space<vmem_shared>> -> memref<128x128xf32, #tpu.memory_space<vmem_shared>>
      %dma_start3A_62 = arith.constant 0 : i32
      %dma_start3A_63 = tpu.memref_slice %arg18[%add3A_12, %dma_start3A_62] : memref<10240x128xf32, #tpu.memory_space<vmem_shared>> -> memref<128x128xf32, #tpu.memory_space<vmem_shared>>
      tpu.enqueue_dma source(%arg14 : memref<128x128xf32, #tpu.memory_space<vmem>>) target(%dma_start3A_63 : memref<128x128xf32, #tpu.memory_space<vmem_shared>>) target_semaphore(%run_scoped3A : memref<!tpu.dma_semaphore, #tpu.memory_space<semaphore_mem>>)
      %dma_wait3A_64 = arith.constant 0 : i32
      %dma_wait3A_65 = tpu.memref_slice %arg18[%add3A_12, %dma_wait3A_64] : memref<10240x128xf32, #tpu.memory_space<vmem_shared>> -> memref<128x128xf32, #tpu.memory_space<vmem_shared>>
      %dma_wait3A_66 = arith.constant 0 : i32
      %dma_wait3A_67 = tpu.memref_slice %arg18[%add3A_12, %dma_wait3A_66] : memref<10240x128xf32, #tpu.memory_space<vmem_shared>> -> memref<128x128xf32, #tpu.memory_space<vmem_shared>>
      tpu.wait_dma2 semaphore(%run_scoped3A : memref<!tpu.dma_semaphore, #tpu.memory_space<semaphore_mem>>) src(%arg14 : memref<128x128xf32, #tpu.memory_space<vmem>>) dst(%dma_wait3A_67 : memref<128x128xf32, #tpu.memory_space<vmem_shared>>)
      tpu.yield
    }) : () -> ()
    "tpu.region"() ({
      %run_scoped3A = tpu.sem_alloc : memref<!tpu.dma_semaphore, #tpu.memory_space<semaphore_mem>>
      %dma_start3A_60 = tpu.memref_slice %arg19[%mul3A_2] : memref<10240xf32, #tpu.memory_space<vmem_shared>> -> memref<640xf32, #tpu.memory_space<vmem_shared>>
      %dma_start3A_61 = tpu.memref_slice %arg19[%mul3A_2] : memref<10240xf32, #tpu.memory_space<vmem_shared>> -> memref<640xf32, #tpu.memory_space<vmem_shared>>
      tpu.enqueue_dma source(%arg17 : memref<640xf32, #tpu.memory_space<vmem>>) target(%dma_start3A_61 : memref<640xf32, #tpu.memory_space<vmem_shared>>) target_semaphore(%run_scoped3A : memref<!tpu.dma_semaphore, #tpu.memory_space<semaphore_mem>>)
      %dma_wait3A_62 = tpu.memref_slice %arg19[%mul3A_2] : memref<10240xf32, #tpu.memory_space<vmem_shared>> -> memref<640xf32, #tpu.memory_space<vmem_shared>>
      %dma_wait3A_63 = tpu.memref_slice %arg19[%mul3A_2] : memref<10240xf32, #tpu.memory_space<vmem_shared>> -> memref<640xf32, #tpu.memory_space<vmem_shared>>
      tpu.wait_dma2 semaphore(%run_scoped3A : memref<!tpu.dma_semaphore, #tpu.memory_space<semaphore_mem>>) src(%arg17 : memref<640xf32, #tpu.memory_space<vmem>>) dst(%dma_wait3A_63 : memref<640xf32, #tpu.memory_space<vmem_shared>>)
      tpu.yield
    }) : () -> ()
    %barrier3A = arith.constant 0 : index
    tpu.barrier barrier_id(%barrier3A)
    %mul3A_13 = arith.constant 80 : i32
    %mul3A_14 = arith.muli %add3A, %mul3A_13 : i32
    %mul3A_15 = arith.constant 128 : i32
    %mul3A_16 = arith.muli %mul3A_14, %mul3A_15 : i32
    %add3A_17 = arith.constant 0 : i32
    %add3A_18 = arith.addi %mul3A_16, %add3A_17 : i32
    "tpu.region"() ({
      %run_scoped3A = tpu.sem_alloc : memref<!tpu.dma_semaphore, #tpu.memory_space<semaphore_mem>>
      %dma_start3A_60 = tpu.memref_slice %arg3[%add3A_18] : memref<327680xi32, #tpu.memory_space<hbm>> -> memref<128xi32, #tpu.memory_space<hbm>>
      %dma_start3A_61 = tpu.memref_slice %arg3[%add3A_18] : memref<327680xi32, #tpu.memory_space<hbm>> -> memref<128xi32, #tpu.memory_space<hbm>>
      tpu.enqueue_dma source(%dma_start3A_61 : memref<128xi32, #tpu.memory_space<hbm>>) target(%arg10 : memref<128xi32, #tpu.memory_space<vmem>>) target_semaphore(%run_scoped3A : memref<!tpu.dma_semaphore, #tpu.memory_space<semaphore_mem>>)
      %dma_wait3A_62 = tpu.memref_slice %arg3[%add3A_18] : memref<327680xi32, #tpu.memory_space<hbm>> -> memref<128xi32, #tpu.memory_space<hbm>>
      %dma_wait3A_63 = tpu.memref_slice %arg3[%add3A_18] : memref<327680xi32, #tpu.memory_space<hbm>> -> memref<128xi32, #tpu.memory_space<hbm>>
      tpu.wait_dma2 semaphore(%run_scoped3A : memref<!tpu.dma_semaphore, #tpu.memory_space<semaphore_mem>>) src(%dma_wait3A_63 : memref<128xi32, #tpu.memory_space<hbm>>) dst(%arg10 : memref<128xi32, #tpu.memory_space<vmem>>)
      tpu.yield
    }) : () -> ()
    "tpu.region"() ({
      %run_scoped3A = tpu.sem_alloc : memref<!tpu.dma_semaphore, #tpu.memory_space<semaphore_mem>>
      %dma_start3A_60 = tpu.memref_slice %arg4[%add3A_18] : memref<327680xi32, #tpu.memory_space<hbm>> -> memref<128xi32, #tpu.memory_space<hbm>>
      %dma_start3A_61 = tpu.memref_slice %arg4[%add3A_18] : memref<327680xi32, #tpu.memory_space<hbm>> -> memref<128xi32, #tpu.memory_space<hbm>>
      tpu.enqueue_dma source(%dma_start3A_61 : memref<128xi32, #tpu.memory_space<hbm>>) target(%arg12 : memref<128xi32, #tpu.memory_space<vmem>>) target_semaphore(%run_scoped3A : memref<!tpu.dma_semaphore, #tpu.memory_space<semaphore_mem>>)
      %dma_wait3A_62 = tpu.memref_slice %arg4[%add3A_18] : memref<327680xi32, #tpu.memory_space<hbm>> -> memref<128xi32, #tpu.memory_space<hbm>>
      %dma_wait3A_63 = tpu.memref_slice %arg4[%add3A_18] : memref<327680xi32, #tpu.memory_space<hbm>> -> memref<128xi32, #tpu.memory_space<hbm>>
      tpu.wait_dma2 semaphore(%run_scoped3A : memref<!tpu.dma_semaphore, #tpu.memory_space<semaphore_mem>>) src(%dma_wait3A_63 : memref<128xi32, #tpu.memory_space<hbm>>) dst(%arg12 : memref<128xi32, #tpu.memory_space<vmem>>)
      tpu.yield
    }) : () -> ()
    %dma_start3A = arith.constant 0 : i32
    %dma_start3A_19 = arith.constant 0 : i32
    %dma_start3A_20 = tpu.memref_slice %arg2[%dma_start3A, %dma_start3A_19] : memref<10000x128xf32, #tpu.memory_space<hbm>> -> memref<10000x128xf32, #tpu.memory_space<hbm>>
    tpu.enqueue_indirect_dma source(%dma_start3A_20 : memref<10000x128xf32, #tpu.memory_space<hbm>>) target(%arg14 : memref<128x128xf32, #tpu.memory_space<vmem>>) offsets(%arg10 : memref<128xi32, #tpu.memory_space<vmem>>) semaphore(%arg20 : memref<!tpu.dma_semaphore, #tpu.memory_space<semaphore_mem>>)
    %add3A_21 = arith.constant 128 : i32
    %add3A_22 = arith.addi %mul3A_16, %add3A_21 : i32
    "tpu.region"() ({
      %run_scoped3A = tpu.sem_alloc : memref<!tpu.dma_semaphore, #tpu.memory_space<semaphore_mem>>
      %dma_start3A_60 = tpu.memref_slice %arg3[%add3A_22] : memref<327680xi32, #tpu.memory_space<hbm>> -> memref<128xi32, #tpu.memory_space<hbm>>
      %dma_start3A_61 = tpu.memref_slice %arg3[%add3A_22] : memref<327680xi32, #tpu.memory_space<hbm>> -> memref<128xi32, #tpu.memory_space<hbm>>
      tpu.enqueue_dma source(%dma_start3A_61 : memref<128xi32, #tpu.memory_space<hbm>>) target(%arg11 : memref<128xi32, #tpu.memory_space<vmem>>) target_semaphore(%run_scoped3A : memref<!tpu.dma_semaphore, #tpu.memory_space<semaphore_mem>>)
      %dma_wait3A_62 = tpu.memref_slice %arg3[%add3A_22] : memref<327680xi32, #tpu.memory_space<hbm>> -> memref<128xi32, #tpu.memory_space<hbm>>
      %dma_wait3A_63 = tpu.memref_slice %arg3[%add3A_22] : memref<327680xi32, #tpu.memory_space<hbm>> -> memref<128xi32, #tpu.memory_space<hbm>>
      tpu.wait_dma2 semaphore(%run_scoped3A : memref<!tpu.dma_semaphore, #tpu.memory_space<semaphore_mem>>) src(%dma_wait3A_63 : memref<128xi32, #tpu.memory_space<hbm>>) dst(%arg11 : memref<128xi32, #tpu.memory_space<vmem>>)
      tpu.yield
    }) : () -> ()
    "tpu.region"() ({
      %run_scoped3A = tpu.sem_alloc : memref<!tpu.dma_semaphore, #tpu.memory_space<semaphore_mem>>
      %dma_start3A_60 = tpu.memref_slice %arg4[%add3A_22] : memref<327680xi32, #tpu.memory_space<hbm>> -> memref<128xi32, #tpu.memory_space<hbm>>
      %dma_start3A_61 = tpu.memref_slice %arg4[%add3A_22] : memref<327680xi32, #tpu.memory_space<hbm>> -> memref<128xi32, #tpu.memory_space<hbm>>
      tpu.enqueue_dma source(%dma_start3A_61 : memref<128xi32, #tpu.memory_space<hbm>>) target(%arg13 : memref<128xi32, #tpu.memory_space<vmem>>) target_semaphore(%run_scoped3A : memref<!tpu.dma_semaphore, #tpu.memory_space<semaphore_mem>>)
      %dma_wait3A_62 = tpu.memref_slice %arg4[%add3A_22] : memref<327680xi32, #tpu.memory_space<hbm>> -> memref<128xi32, #tpu.memory_space<hbm>>
      %dma_wait3A_63 = tpu.memref_slice %arg4[%add3A_22] : memref<327680xi32, #tpu.memory_space<hbm>> -> memref<128xi32, #tpu.memory_space<hbm>>
      tpu.wait_dma2 semaphore(%run_scoped3A : memref<!tpu.dma_semaphore, #tpu.memory_space<semaphore_mem>>) src(%dma_wait3A_63 : memref<128xi32, #tpu.memory_space<hbm>>) dst(%arg13 : memref<128xi32, #tpu.memory_space<vmem>>)
      tpu.yield
    }) : () -> ()
    %dma_start3A_23 = arith.constant 0 : i32
    %dma_start3A_24 = arith.constant 0 : i32
    %dma_start3A_25 = tpu.memref_slice %arg2[%dma_start3A_23, %dma_start3A_24] : memref<10000x128xf32, #tpu.memory_space<hbm>> -> memref<10000x128xf32, #tpu.memory_space<hbm>>
    tpu.enqueue_indirect_dma source(%dma_start3A_25 : memref<10000x128xf32, #tpu.memory_space<hbm>>) target(%arg15 : memref<128x128xf32, #tpu.memory_space<vmem>>) offsets(%arg11 : memref<128xi32, #tpu.memory_space<vmem>>) semaphore(%arg21 : memref<!tpu.dma_semaphore, #tpu.memory_space<semaphore_mem>>)
    %scan3A = arith.constant 0 : i32
    %scan3A_26 = arith.constant 0 : i32
    %scan3A_27 = arith.constant 39 : i32
    %scan3A_28 = arith.addi %scan3A_26, %scan3A_27 : i32
    %scan3A_29 = arith.constant 1 : i32
    scf.for %scan3A_60 = %scan3A_26 to %scan3A_28 step %scan3A_29  : i32 {
      %mul3A_61 = arith.constant 2 : i32
      %mul3A_62 = arith.muli %mul3A_61, %scan3A_60 : i32
      %add3A_63 = arith.constant 0 : i32
      %add3A_64 = arith.addi %mul3A_62, %add3A_63 : i32
      %dma_wait3A_65 = arith.constant 0 : i32
      %dma_wait3A_66 = arith.constant 0 : i32
      %dma_wait3A_67 = tpu.memref_slice %arg2[%dma_wait3A_65, %dma_wait3A_66] : memref<10000x128xf32, #tpu.memory_space<hbm>> -> memref<10000x128xf32, #tpu.memory_space<hbm>>
      tpu.wait_indirect_dma semaphore(%arg20 : memref<!tpu.dma_semaphore, #tpu.memory_space<semaphore_mem>>) src(%dma_wait3A_67 : memref<10000x128xf32, #tpu.memory_space<hbm>>) dst(%arg14 : memref<128x128xf32, #tpu.memory_space<vmem>>)
      "tpu.region"() ({
        %run_scoped3A = tpu.sem_alloc : memref<!tpu.dma_semaphore, #tpu.memory_space<semaphore_mem>>
        %dma_start3A_91 = arith.constant 0 : i32
        %dma_start3A_92 = arith.constant 0 : i32
        %dma_start3A_93 = tpu.memref_slice %arg18[%dma_start3A_91, %dma_start3A_92] : memref<10240x128xf32, #tpu.memory_space<vmem_shared>> -> memref<10240x128xf32, #tpu.memory_space<vmem_shared>>
        tpu.enqueue_indirect_dma source(%arg14 : memref<128x128xf32, #tpu.memory_space<vmem>>) target(%dma_start3A_93 : memref<10240x128xf32, #tpu.memory_space<vmem_shared>>) offsets(%arg12 : memref<128xi32, #tpu.memory_space<vmem>>) semaphore(%run_scoped3A : memref<!tpu.dma_semaphore, #tpu.memory_space<semaphore_mem>>) {add = true}
        %dma_wait3A_94 = arith.constant 0 : i32
        %dma_wait3A_95 = arith.constant 0 : i32
        %dma_wait3A_96 = tpu.memref_slice %arg18[%dma_wait3A_94, %dma_wait3A_95] : memref<10240x128xf32, #tpu.memory_space<vmem_shared>> -> memref<10240x128xf32, #tpu.memory_space<vmem_shared>>
        tpu.wait_indirect_dma semaphore(%run_scoped3A : memref<!tpu.dma_semaphore, #tpu.memory_space<semaphore_mem>>) src(%arg14 : memref<128x128xf32, #tpu.memory_space<vmem>>) dst(%dma_wait3A_96 : memref<10240x128xf32, #tpu.memory_space<vmem_shared>>)
        tpu.yield
      }) : () -> ()
      "tpu.region"() ({
        %run_scoped3A = tpu.sem_alloc : memref<!tpu.dma_semaphore, #tpu.memory_space<semaphore_mem>>
        %dma_start3A_91 = arith.constant 0 : i32
        %dma_start3A_92 = tpu.memref_slice %arg19[%dma_start3A_91] : memref<10240xf32, #tpu.memory_space<vmem_shared>> -> memref<10240xf32, #tpu.memory_space<vmem_shared>>
        tpu.enqueue_indirect_dma source(%arg16 : memref<128xf32, #tpu.memory_space<vmem>>) target(%dma_start3A_92 : memref<10240xf32, #tpu.memory_space<vmem_shared>>) offsets(%arg12 : memref<128xi32, #tpu.memory_space<vmem>>) semaphore(%run_scoped3A : memref<!tpu.dma_semaphore, #tpu.memory_space<semaphore_mem>>) {add = true}
        %dma_wait3A_93 = arith.constant 0 : i32
        %dma_wait3A_94 = tpu.memref_slice %arg19[%dma_wait3A_93] : memref<10240xf32, #tpu.memory_space<vmem_shared>> -> memref<10240xf32, #tpu.memory_space<vmem_shared>>
        tpu.wait_indirect_dma semaphore(%run_scoped3A : memref<!tpu.dma_semaphore, #tpu.memory_space<semaphore_mem>>) src(%arg16 : memref<128xf32, #tpu.memory_space<vmem>>) dst(%dma_wait3A_94 : memref<10240xf32, #tpu.memory_space<vmem_shared>>)
        tpu.yield
      }) : () -> ()
      %add3A_68 = arith.constant 2 : i32
      %add3A_69 = arith.addi %add3A_64, %add3A_68 : i32
      %mul3A_70 = arith.constant 128 : i32
      %mul3A_71 = arith.muli %add3A_69, %mul3A_70 : i32
      %add3A_72 = arith.addi %mul3A_16, %mul3A_71 : i32
      "tpu.region"() ({
        %run_scoped3A = tpu.sem_alloc : memref<!tpu.dma_semaphore, #tpu.memory_space<semaphore_mem>>
        %dma_start3A_91 = tpu.memref_slice %arg3[%add3A_72] : memref<327680xi32, #tpu.memory_space<hbm>> -> memref<128xi32, #tpu.memory_space<hbm>>
        %dma_start3A_92 = tpu.memref_slice %arg3[%add3A_72] : memref<327680xi32, #tpu.memory_space<hbm>> -> memref<128xi32, #tpu.memory_space<hbm>>
        tpu.enqueue_dma source(%dma_start3A_92 : memref<128xi32, #tpu.memory_space<hbm>>) target(%arg10 : memref<128xi32, #tpu.memory_space<vmem>>) target_semaphore(%run_scoped3A : memref<!tpu.dma_semaphore, #tpu.memory_space<semaphore_mem>>)
        %dma_wait3A_93 = tpu.memref_slice %arg3[%add3A_72] : memref<327680xi32, #tpu.memory_space<hbm>> -> memref<128xi32, #tpu.memory_space<hbm>>
        %dma_wait3A_94 = tpu.memref_slice %arg3[%add3A_72] : memref<327680xi32, #tpu.memory_space<hbm>> -> memref<128xi32, #tpu.memory_space<hbm>>
        tpu.wait_dma2 semaphore(%run_scoped3A : memref<!tpu.dma_semaphore, #tpu.memory_space<semaphore_mem>>) src(%dma_wait3A_94 : memref<128xi32, #tpu.memory_space<hbm>>) dst(%arg10 : memref<128xi32, #tpu.memory_space<vmem>>)
        tpu.yield
      }) : () -> ()
      "tpu.region"() ({
        %run_scoped3A = tpu.sem_alloc : memref<!tpu.dma_semaphore, #tpu.memory_space<semaphore_mem>>
        %dma_start3A_91 = tpu.memref_slice %arg4[%add3A_72] : memref<327680xi32, #tpu.memory_space<hbm>> -> memref<128xi32, #tpu.memory_space<hbm>>
        %dma_start3A_92 = tpu.memref_slice %arg4[%add3A_72] : memref<327680xi32, #tpu.memory_space<hbm>> -> memref<128xi32, #tpu.memory_space<hbm>>
        tpu.enqueue_dma source(%dma_start3A_92 : memref<128xi32, #tpu.memory_space<hbm>>) target(%arg12 : memref<128xi32, #tpu.memory_space<vmem>>) target_semaphore(%run_scoped3A : memref<!tpu.dma_semaphore, #tpu.memory_space<semaphore_mem>>)
        %dma_wait3A_93 = tpu.memref_slice %arg4[%add3A_72] : memref<327680xi32, #tpu.memory_space<hbm>> -> memref<128xi32, #tpu.memory_space<hbm>>
        %dma_wait3A_94 = tpu.memref_slice %arg4[%add3A_72] : memref<327680xi32, #tpu.memory_space<hbm>> -> memref<128xi32, #tpu.memory_space<hbm>>
        tpu.wait_dma2 semaphore(%run_scoped3A : memref<!tpu.dma_semaphore, #tpu.memory_space<semaphore_mem>>) src(%dma_wait3A_94 : memref<128xi32, #tpu.memory_space<hbm>>) dst(%arg12 : memref<128xi32, #tpu.memory_space<vmem>>)
        tpu.yield
      }) : () -> ()
      %dma_start3A_73 = arith.constant 0 : i32
      %dma_start3A_74 = arith.constant 0 : i32
      %dma_start3A_75 = tpu.memref_slice %arg2[%dma_start3A_73, %dma_start3A_74] : memref<10000x128xf32, #tpu.memory_space<hbm>> -> memref<10000x128xf32, #tpu.memory_space<hbm>>
      tpu.enqueue_indirect_dma source(%dma_start3A_75 : memref<10000x128xf32, #tpu.memory_space<hbm>>) target(%arg14 : memref<128x128xf32, #tpu.memory_space<vmem>>) offsets(%arg10 : memref<128xi32, #tpu.memory_space<vmem>>) semaphore(%arg20 : memref<!tpu.dma_semaphore, #tpu.memory_space<semaphore_mem>>)
      %mul3A_76 = arith.constant 2 : i32
      %mul3A_77 = arith.muli %mul3A_76, %scan3A_60 : i32
      %add3A_78 = arith.constant 1 : i32
      %add3A_79 = arith.addi %mul3A_77, %add3A_78 : i32
      %dma_wait3A_80 = arith.constant 0 : i32
      %dma_wait3A_81 = arith.constant 0 : i32
      %dma_wait3A_82 = tpu.memref_slice %arg2[%dma_wait3A_80, %dma_wait3A_81] : memref<10000x128xf32, #tpu.memory_space<hbm>> -> memref<10000x128xf32, #tpu.memory_space<hbm>>
      tpu.wait_indirect_dma semaphore(%arg21 : memref<!tpu.dma_semaphore, #tpu.memory_space<semaphore_mem>>) src(%dma_wait3A_82 : memref<10000x128xf32, #tpu.memory_space<hbm>>) dst(%arg15 : memref<128x128xf32, #tpu.memory_space<vmem>>)
      "tpu.region"() ({
        %run_scoped3A = tpu.sem_alloc : memref<!tpu.dma_semaphore, #tpu.memory_space<semaphore_mem>>
        %dma_start3A_91 = arith.constant 0 : i32
        %dma_start3A_92 = arith.constant 0 : i32
        %dma_start3A_93 = tpu.memref_slice %arg18[%dma_start3A_91, %dma_start3A_92] : memref<10240x128xf32, #tpu.memory_space<vmem_shared>> -> memref<10240x128xf32, #tpu.memory_space<vmem_shared>>
        tpu.enqueue_indirect_dma source(%arg15 : memref<128x128xf32, #tpu.memory_space<vmem>>) target(%dma_start3A_93 : memref<10240x128xf32, #tpu.memory_space<vmem_shared>>) offsets(%arg13 : memref<128xi32, #tpu.memory_space<vmem>>) semaphore(%run_scoped3A : memref<!tpu.dma_semaphore, #tpu.memory_space<semaphore_mem>>) {add = true}
        %dma_wait3A_94 = arith.constant 0 : i32
        %dma_wait3A_95 = arith.constant 0 : i32
        %dma_wait3A_96 = tpu.memref_slice %arg18[%dma_wait3A_94, %dma_wait3A_95] : memref<10240x128xf32, #tpu.memory_space<vmem_shared>> -> memref<10240x128xf32, #tpu.memory_space<vmem_shared>>
        tpu.wait_indirect_dma semaphore(%run_scoped3A : memref<!tpu.dma_semaphore, #tpu.memory_space<semaphore_mem>>) src(%arg15 : memref<128x128xf32, #tpu.memory_space<vmem>>) dst(%dma_wait3A_96 : memref<10240x128xf32, #tpu.memory_space<vmem_shared>>)
        tpu.yield
      }) : () -> ()
      "tpu.region"() ({
        %run_scoped3A = tpu.sem_alloc : memref<!tpu.dma_semaphore, #tpu.memory_space<semaphore_mem>>
        %dma_start3A_91 = arith.constant 0 : i32
        %dma_start3A_92 = tpu.memref_slice %arg19[%dma_start3A_91] : memref<10240xf32, #tpu.memory_space<vmem_shared>> -> memref<10240xf32, #tpu.memory_space<vmem_shared>>
        tpu.enqueue_indirect_dma source(%arg16 : memref<128xf32, #tpu.memory_space<vmem>>) target(%dma_start3A_92 : memref<10240xf32, #tpu.memory_space<vmem_shared>>) offsets(%arg13 : memref<128xi32, #tpu.memory_space<vmem>>) semaphore(%run_scoped3A : memref<!tpu.dma_semaphore, #tpu.memory_space<semaphore_mem>>) {add = true}
        %dma_wait3A_93 = arith.constant 0 : i32
        %dma_wait3A_94 = tpu.memref_slice %arg19[%dma_wait3A_93] : memref<10240xf32, #tpu.memory_space<vmem_shared>> -> memref<10240xf32, #tpu.memory_space<vmem_shared>>
        tpu.wait_indirect_dma semaphore(%run_scoped3A : memref<!tpu.dma_semaphore, #tpu.memory_space<semaphore_mem>>) src(%arg16 : memref<128xf32, #tpu.memory_space<vmem>>) dst(%dma_wait3A_94 : memref<10240xf32, #tpu.memory_space<vmem_shared>>)
        tpu.yield
      }) : () -> ()
      %add3A_83 = arith.constant 2 : i32
      %add3A_84 = arith.addi %add3A_79, %add3A_83 : i32
      %mul3A_85 = arith.constant 128 : i32
      %mul3A_86 = arith.muli %add3A_84, %mul3A_85 : i32
      %add3A_87 = arith.addi %mul3A_16, %mul3A_86 : i32
      "tpu.region"() ({
        %run_scoped3A = tpu.sem_alloc : memref<!tpu.dma_semaphore, #tpu.memory_space<semaphore_mem>>
        %dma_start3A_91 = tpu.memref_slice %arg3[%add3A_87] : memref<327680xi32, #tpu.memory_space<hbm>> -> memref<128xi32, #tpu.memory_space<hbm>>
        %dma_start3A_92 = tpu.memref_slice %arg3[%add3A_87] : memref<327680xi32, #tpu.memory_space<hbm>> -> memref<128xi32, #tpu.memory_space<hbm>>
        tpu.enqueue_dma source(%dma_start3A_92 : memref<128xi32, #tpu.memory_space<hbm>>) target(%arg11 : memref<128xi32, #tpu.memory_space<vmem>>) target_semaphore(%run_scoped3A : memref<!tpu.dma_semaphore, #tpu.memory_space<semaphore_mem>>)
        %dma_wait3A_93 = tpu.memref_slice %arg3[%add3A_87] : memref<327680xi32, #tpu.memory_space<hbm>> -> memref<128xi32, #tpu.memory_space<hbm>>
        %dma_wait3A_94 = tpu.memref_slice %arg3[%add3A_87] : memref<327680xi32, #tpu.memory_space<hbm>> -> memref<128xi32, #tpu.memory_space<hbm>>
        tpu.wait_dma2 semaphore(%run_scoped3A : memref<!tpu.dma_semaphore, #tpu.memory_space<semaphore_mem>>) src(%dma_wait3A_94 : memref<128xi32, #tpu.memory_space<hbm>>) dst(%arg11 : memref<128xi32, #tpu.memory_space<vmem>>)
        tpu.yield
      }) : () -> ()
      "tpu.region"() ({
        %run_scoped3A = tpu.sem_alloc : memref<!tpu.dma_semaphore, #tpu.memory_space<semaphore_mem>>
        %dma_start3A_91 = tpu.memref_slice %arg4[%add3A_87] : memref<327680xi32, #tpu.memory_space<hbm>> -> memref<128xi32, #tpu.memory_space<hbm>>
        %dma_start3A_92 = tpu.memref_slice %arg4[%add3A_87] : memref<327680xi32, #tpu.memory_space<hbm>> -> memref<128xi32, #tpu.memory_space<hbm>>
        tpu.enqueue_dma source(%dma_start3A_92 : memref<128xi32, #tpu.memory_space<hbm>>) target(%arg13 : memref<128xi32, #tpu.memory_space<vmem>>) target_semaphore(%run_scoped3A : memref<!tpu.dma_semaphore, #tpu.memory_space<semaphore_mem>>)
        %dma_wait3A_93 = tpu.memref_slice %arg4[%add3A_87] : memref<327680xi32, #tpu.memory_space<hbm>> -> memref<128xi32, #tpu.memory_space<hbm>>
        %dma_wait3A_94 = tpu.memref_slice %arg4[%add3A_87] : memref<327680xi32, #tpu.memory_space<hbm>> -> memref<128xi32, #tpu.memory_space<hbm>>
        tpu.wait_dma2 semaphore(%run_scoped3A : memref<!tpu.dma_semaphore, #tpu.memory_space<semaphore_mem>>) src(%dma_wait3A_94 : memref<128xi32, #tpu.memory_space<hbm>>) dst(%arg13 : memref<128xi32, #tpu.memory_space<vmem>>)
        tpu.yield
      }) : () -> ()
      %dma_start3A_88 = arith.constant 0 : i32
      %dma_start3A_89 = arith.constant 0 : i32
      %dma_start3A_90 = tpu.memref_slice %arg2[%dma_start3A_88, %dma_start3A_89] : memref<10000x128xf32, #tpu.memory_space<hbm>> -> memref<10000x128xf32, #tpu.memory_space<hbm>>
      tpu.enqueue_indirect_dma source(%dma_start3A_90 : memref<10000x128xf32, #tpu.memory_space<hbm>>) target(%arg15 : memref<128x128xf32, #tpu.memory_space<vmem>>) offsets(%arg11 : memref<128xi32, #tpu.memory_space<vmem>>) semaphore(%arg21 : memref<!tpu.dma_semaphore, #tpu.memory_space<semaphore_mem>>)
    }
    %scan3A_30 = arith.constant 39 : i32
    %dma_wait3A = arith.constant 0 : i32
    %dma_wait3A_31 = arith.constant 0 : i32
    %dma_wait3A_32 = tpu.memref_slice %arg2[%dma_wait3A, %dma_wait3A_31] : memref<10000x128xf32, #tpu.memory_space<hbm>> -> memref<10000x128xf32, #tpu.memory_space<hbm>>
    tpu.wait_indirect_dma semaphore(%arg20 : memref<!tpu.dma_semaphore, #tpu.memory_space<semaphore_mem>>) src(%dma_wait3A_32 : memref<10000x128xf32, #tpu.memory_space<hbm>>) dst(%arg14 : memref<128x128xf32, #tpu.memory_space<vmem>>)
    "tpu.region"() ({
      %run_scoped3A = tpu.sem_alloc : memref<!tpu.dma_semaphore, #tpu.memory_space<semaphore_mem>>
      %dma_start3A_60 = arith.constant 0 : i32
      %dma_start3A_61 = arith.constant 0 : i32
      %dma_start3A_62 = tpu.memref_slice %arg18[%dma_start3A_60, %dma_start3A_61] : memref<10240x128xf32, #tpu.memory_space<vmem_shared>> -> memref<10240x128xf32, #tpu.memory_space<vmem_shared>>
      tpu.enqueue_indirect_dma source(%arg14 : memref<128x128xf32, #tpu.memory_space<vmem>>) target(%dma_start3A_62 : memref<10240x128xf32, #tpu.memory_space<vmem_shared>>) offsets(%arg12 : memref<128xi32, #tpu.memory_space<vmem>>) semaphore(%run_scoped3A : memref<!tpu.dma_semaphore, #tpu.memory_space<semaphore_mem>>) {add = true}
      %dma_wait3A_63 = arith.constant 0 : i32
      %dma_wait3A_64 = arith.constant 0 : i32
      %dma_wait3A_65 = tpu.memref_slice %arg18[%dma_wait3A_63, %dma_wait3A_64] : memref<10240x128xf32, #tpu.memory_space<vmem_shared>> -> memref<10240x128xf32, #tpu.memory_space<vmem_shared>>
      tpu.wait_indirect_dma semaphore(%run_scoped3A : memref<!tpu.dma_semaphore, #tpu.memory_space<semaphore_mem>>) src(%arg14 : memref<128x128xf32, #tpu.memory_space<vmem>>) dst(%dma_wait3A_65 : memref<10240x128xf32, #tpu.memory_space<vmem_shared>>)
      tpu.yield
    }) : () -> ()
    "tpu.region"() ({
      %run_scoped3A = tpu.sem_alloc : memref<!tpu.dma_semaphore, #tpu.memory_space<semaphore_mem>>
      %dma_start3A_60 = arith.constant 0 : i32
      %dma_start3A_61 = tpu.memref_slice %arg19[%dma_start3A_60] : memref<10240xf32, #tpu.memory_space<vmem_shared>> -> memref<10240xf32, #tpu.memory_space<vmem_shared>>
      tpu.enqueue_indirect_dma source(%arg16 : memref<128xf32, #tpu.memory_space<vmem>>) target(%dma_start3A_61 : memref<10240xf32, #tpu.memory_space<vmem_shared>>) offsets(%arg12 : memref<128xi32, #tpu.memory_space<vmem>>) semaphore(%run_scoped3A : memref<!tpu.dma_semaphore, #tpu.memory_space<semaphore_mem>>) {add = true}
      %dma_wait3A_62 = arith.constant 0 : i32
      %dma_wait3A_63 = tpu.memref_slice %arg19[%dma_wait3A_62] : memref<10240xf32, #tpu.memory_space<vmem_shared>> -> memref<10240xf32, #tpu.memory_space<vmem_shared>>
      tpu.wait_indirect_dma semaphore(%run_scoped3A : memref<!tpu.dma_semaphore, #tpu.memory_space<semaphore_mem>>) src(%arg16 : memref<128xf32, #tpu.memory_space<vmem>>) dst(%dma_wait3A_63 : memref<10240xf32, #tpu.memory_space<vmem_shared>>)
      tpu.yield
    }) : () -> ()
    %dma_wait3A_33 = arith.constant 0 : i32
    %dma_wait3A_34 = arith.constant 0 : i32
    %dma_wait3A_35 = tpu.memref_slice %arg2[%dma_wait3A_33, %dma_wait3A_34] : memref<10000x128xf32, #tpu.memory_space<hbm>> -> memref<10000x128xf32, #tpu.memory_space<hbm>>
    tpu.wait_indirect_dma semaphore(%arg21 : memref<!tpu.dma_semaphore, #tpu.memory_space<semaphore_mem>>) src(%dma_wait3A_35 : memref<10000x128xf32, #tpu.memory_space<hbm>>) dst(%arg15 : memref<128x128xf32, #tpu.memory_space<vmem>>)
    "tpu.region"() ({
      %run_scoped3A = tpu.sem_alloc : memref<!tpu.dma_semaphore, #tpu.memory_space<semaphore_mem>>
      %dma_start3A_60 = arith.constant 0 : i32
      %dma_start3A_61 = arith.constant 0 : i32
      %dma_start3A_62 = tpu.memref_slice %arg18[%dma_start3A_60, %dma_start3A_61] : memref<10240x128xf32, #tpu.memory_space<vmem_shared>> -> memref<10240x128xf32, #tpu.memory_space<vmem_shared>>
      tpu.enqueue_indirect_dma source(%arg15 : memref<128x128xf32, #tpu.memory_space<vmem>>) target(%dma_start3A_62 : memref<10240x128xf32, #tpu.memory_space<vmem_shared>>) offsets(%arg13 : memref<128xi32, #tpu.memory_space<vmem>>) semaphore(%run_scoped3A : memref<!tpu.dma_semaphore, #tpu.memory_space<semaphore_mem>>) {add = true}
      %dma_wait3A_63 = arith.constant 0 : i32
      %dma_wait3A_64 = arith.constant 0 : i32
      %dma_wait3A_65 = tpu.memref_slice %arg18[%dma_wait3A_63, %dma_wait3A_64] : memref<10240x128xf32, #tpu.memory_space<vmem_shared>> -> memref<10240x128xf32, #tpu.memory_space<vmem_shared>>
      tpu.wait_indirect_dma semaphore(%run_scoped3A : memref<!tpu.dma_semaphore, #tpu.memory_space<semaphore_mem>>) src(%arg15 : memref<128x128xf32, #tpu.memory_space<vmem>>) dst(%dma_wait3A_65 : memref<10240x128xf32, #tpu.memory_space<vmem_shared>>)
      tpu.yield
    }) : () -> ()
    "tpu.region"() ({
      %run_scoped3A = tpu.sem_alloc : memref<!tpu.dma_semaphore, #tpu.memory_space<semaphore_mem>>
      %dma_start3A_60 = arith.constant 0 : i32
      %dma_start3A_61 = tpu.memref_slice %arg19[%dma_start3A_60] : memref<10240xf32, #tpu.memory_space<vmem_shared>> -> memref<10240xf32, #tpu.memory_space<vmem_shared>>
      tpu.enqueue_indirect_dma source(%arg16 : memref<128xf32, #tpu.memory_space<vmem>>) target(%dma_start3A_61 : memref<10240xf32, #tpu.memory_space<vmem_shared>>) offsets(%arg13 : memref<128xi32, #tpu.memory_space<vmem>>) semaphore(%run_scoped3A : memref<!tpu.dma_semaphore, #tpu.memory_space<semaphore_mem>>) {add = true}
      %dma_wait3A_62 = arith.constant 0 : i32
      %dma_wait3A_63 = tpu.memref_slice %arg19[%dma_wait3A_62] : memref<10240xf32, #tpu.memory_space<vmem_shared>> -> memref<10240xf32, #tpu.memory_space<vmem_shared>>
      tpu.wait_indirect_dma semaphore(%run_scoped3A : memref<!tpu.dma_semaphore, #tpu.memory_space<semaphore_mem>>) src(%arg16 : memref<128xf32, #tpu.memory_space<vmem>>) dst(%dma_wait3A_63 : memref<10240xf32, #tpu.memory_space<vmem_shared>>)
      tpu.yield
    }) : () -> ()
    %barrier3A_36 = arith.constant 0 : index
    tpu.barrier barrier_id(%barrier3A_36)
    %mul3A_37 = arith.constant 10240 : i32
    %mul3A_38 = arith.muli %arg0, %mul3A_37 : i32
    %add3A_39 = arith.addi %mul3A_38, %mul3A_2 : i32
    %add3A_40 = arith.constant 0 : i32
    %add3A_41 = arith.addi %mul3A_2, %add3A_40 : i32
    %add3A_42 = arith.constant 0 : i32
    %add3A_43 = arith.addi %add3A_39, %add3A_42 : i32
    "tpu.region"() ({
      %run_scoped3A = tpu.sem_alloc : memref<!tpu.dma_semaphore, #tpu.memory_space<semaphore_mem>>
      %dma_start3A_60 = arith.constant 0 : i32
      %dma_start3A_61 = tpu.memref_slice %arg18[%add3A_41, %dma_start3A_60] : memref<10240x128xf32, #tpu.memory_space<vmem_shared>> -> memref<128x128xf32, #tpu.memory_space<vmem_shared>>
      %dma_start3A_62 = arith.constant 0 : i32
      %dma_start3A_63 = tpu.memref_slice %arg18[%add3A_41, %dma_start3A_62] : memref<10240x128xf32, #tpu.memory_space<vmem_shared>> -> memref<128x128xf32, #tpu.memory_space<vmem_shared>>
      tpu.enqueue_dma source(%dma_start3A_63 : memref<128x128xf32, #tpu.memory_space<vmem_shared>>) target(%arg14 : memref<128x128xf32, #tpu.memory_space<vmem>>) target_semaphore(%run_scoped3A : memref<!tpu.dma_semaphore, #tpu.memory_space<semaphore_mem>>)
      %dma_wait3A_64 = arith.constant 0 : i32
      %dma_wait3A_65 = tpu.memref_slice %arg18[%add3A_41, %dma_wait3A_64] : memref<10240x128xf32, #tpu.memory_space<vmem_shared>> -> memref<128x128xf32, #tpu.memory_space<vmem_shared>>
      %dma_wait3A_66 = arith.constant 0 : i32
      %dma_wait3A_67 = tpu.memref_slice %arg18[%add3A_41, %dma_wait3A_66] : memref<10240x128xf32, #tpu.memory_space<vmem_shared>> -> memref<128x128xf32, #tpu.memory_space<vmem_shared>>
      tpu.wait_dma2 semaphore(%run_scoped3A : memref<!tpu.dma_semaphore, #tpu.memory_space<semaphore_mem>>) src(%dma_wait3A_67 : memref<128x128xf32, #tpu.memory_space<vmem_shared>>) dst(%arg14 : memref<128x128xf32, #tpu.memory_space<vmem>>)
      tpu.yield
    }) : () -> ()
    "tpu.region"() ({
      %run_scoped3A = tpu.sem_alloc : memref<!tpu.dma_semaphore, #tpu.memory_space<semaphore_mem>>
      %dma_start3A_60 = arith.constant 0 : i32
      %dma_start3A_61 = tpu.memref_slice %arg8[%add3A_43, %dma_start3A_60] : memref<20480x128xf32, #tpu.memory_space<hbm>> -> memref<128x128xf32, #tpu.memory_space<hbm>>
      %dma_start3A_62 = arith.constant 0 : i32
      %dma_start3A_63 = tpu.memref_slice %arg8[%add3A_43, %dma_start3A_62] : memref<20480x128xf32, #tpu.memory_space<hbm>> -> memref<128x128xf32, #tpu.memory_space<hbm>>
      tpu.enqueue_dma source(%arg14 : memref<128x128xf32, #tpu.memory_space<vmem>>) target(%dma_start3A_63 : memref<128x128xf32, #tpu.memory_space<hbm>>) target_semaphore(%run_scoped3A : memref<!tpu.dma_semaphore, #tpu.memory_space<semaphore_mem>>)
      %dma_wait3A_64 = arith.constant 0 : i32
      %dma_wait3A_65 = tpu.memref_slice %arg8[%add3A_43, %dma_wait3A_64] : memref<20480x128xf32, #tpu.memory_space<hbm>> -> memref<128x128xf32, #tpu.memory_space<hbm>>
      %dma_wait3A_66 = arith.constant 0 : i32
      %dma_wait3A_67 = tpu.memref_slice %arg8[%add3A_43, %dma_wait3A_66] : memref<20480x128xf32, #tpu.memory_space<hbm>> -> memref<128x128xf32, #tpu.memory_space<hbm>>
      tpu.wait_dma2 semaphore(%run_scoped3A : memref<!tpu.dma_semaphore, #tpu.memory_space<semaphore_mem>>) src(%arg14 : memref<128x128xf32, #tpu.memory_space<vmem>>) dst(%dma_wait3A_67 : memref<128x128xf32, #tpu.memory_space<hbm>>)
      tpu.yield
    }) : () -> ()
    %add3A_44 = arith.constant 128 : i32
    %add3A_45 = arith.addi %mul3A_2, %add3A_44 : i32
    %add3A_46 = arith.constant 128 : i32
    %add3A_47 = arith.addi %add3A_39, %add3A_46 : i32
    "tpu.region"() ({
      %run_scoped3A = tpu.sem_alloc : memref<!tpu.dma_semaphore, #tpu.memory_space<semaphore_mem>>
      %dma_start3A_60 = arith.constant 0 : i32
      %dma_start3A_61 = tpu.memref_slice %arg18[%add3A_45, %dma_start3A_60] : memref<10240x128xf32, #tpu.memory_space<vmem_shared>> -> memref<128x128xf32, #tpu.memory_space<vmem_shared>>
      %dma_start3A_62 = arith.constant 0 : i32
      %dma_start3A_63 = tpu.memref_slice %arg18[%add3A_45, %dma_start3A_62] : memref<10240x128xf32, #tpu.memory_space<vmem_shared>> -> memref<128x128xf32, #tpu.memory_space<vmem_shared>>
      tpu.enqueue_dma source(%dma_start3A_63 : memref<128x128xf32, #tpu.memory_space<vmem_shared>>) target(%arg14 : memref<128x128xf32, #tpu.memory_space<vmem>>) target_semaphore(%run_scoped3A : memref<!tpu.dma_semaphore, #tpu.memory_space<semaphore_mem>>)
      %dma_wait3A_64 = arith.constant 0 : i32
      %dma_wait3A_65 = tpu.memref_slice %arg18[%add3A_45, %dma_wait3A_64] : memref<10240x128xf32, #tpu.memory_space<vmem_shared>> -> memref<128x128xf32, #tpu.memory_space<vmem_shared>>
      %dma_wait3A_66 = arith.constant 0 : i32
      %dma_wait3A_67 = tpu.memref_slice %arg18[%add3A_45, %dma_wait3A_66] : memref<10240x128xf32, #tpu.memory_space<vmem_shared>> -> memref<128x128xf32, #tpu.memory_space<vmem_shared>>
      tpu.wait_dma2 semaphore(%run_scoped3A : memref<!tpu.dma_semaphore, #tpu.memory_space<semaphore_mem>>) src(%dma_wait3A_67 : memref<128x128xf32, #tpu.memory_space<vmem_shared>>) dst(%arg14 : memref<128x128xf32, #tpu.memory_space<vmem>>)
      tpu.yield
    }) : () -> ()
    "tpu.region"() ({
      %run_scoped3A = tpu.sem_alloc : memref<!tpu.dma_semaphore, #tpu.memory_space<semaphore_mem>>
      %dma_start3A_60 = arith.constant 0 : i32
      %dma_start3A_61 = tpu.memref_slice %arg8[%add3A_47, %dma_start3A_60] : memref<20480x128xf32, #tpu.memory_space<hbm>> -> memref<128x128xf32, #tpu.memory_space<hbm>>
      %dma_start3A_62 = arith.constant 0 : i32
      %dma_start3A_63 = tpu.memref_slice %arg8[%add3A_47, %dma_start3A_62] : memref<20480x128xf32, #tpu.memory_space<hbm>> -> memref<128x128xf32, #tpu.memory_space<hbm>>
      tpu.enqueue_dma source(%arg14 : memref<128x128xf32, #tpu.memory_space<vmem>>) target(%dma_start3A_63 : memref<128x128xf32, #tpu.memory_space<hbm>>) target_semaphore(%run_scoped3A : memref<!tpu.dma_semaphore, #tpu.memory_space<semaphore_mem>>)
      %dma_wait3A_64 = arith.constant 0 : i32
      %dma_wait3A_65 = tpu.memref_slice %arg8[%add3A_47, %dma_wait3A_64] : memref<20480x128xf32, #tpu.memory_space<hbm>> -> memref<128x128xf32, #tpu.memory_space<hbm>>
      %dma_wait3A_66 = arith.constant 0 : i32
      %dma_wait3A_67 = tpu.memref_slice %arg8[%add3A_47, %dma_wait3A_66] : memref<20480x128xf32, #tpu.memory_space<hbm>> -> memref<128x128xf32, #tpu.memory_space<hbm>>
      tpu.wait_dma2 semaphore(%run_scoped3A : memref<!tpu.dma_semaphore, #tpu.memory_space<semaphore_mem>>) src(%arg14 : memref<128x128xf32, #tpu.memory_space<vmem>>) dst(%dma_wait3A_67 : memref<128x128xf32, #tpu.memory_space<hbm>>)
      tpu.yield
    }) : () -> ()
    %add3A_48 = arith.constant 256 : i32
    %add3A_49 = arith.addi %mul3A_2, %add3A_48 : i32
    %add3A_50 = arith.constant 256 : i32
    %add3A_51 = arith.addi %add3A_39, %add3A_50 : i32
    "tpu.region"() ({
      %run_scoped3A = tpu.sem_alloc : memref<!tpu.dma_semaphore, #tpu.memory_space<semaphore_mem>>
      %dma_start3A_60 = arith.constant 0 : i32
      %dma_start3A_61 = tpu.memref_slice %arg18[%add3A_49, %dma_start3A_60] : memref<10240x128xf32, #tpu.memory_space<vmem_shared>> -> memref<128x128xf32, #tpu.memory_space<vmem_shared>>
      %dma_start3A_62 = arith.constant 0 : i32
      %dma_start3A_63 = tpu.memref_slice %arg18[%add3A_49, %dma_start3A_62] : memref<10240x128xf32, #tpu.memory_space<vmem_shared>> -> memref<128x128xf32, #tpu.memory_space<vmem_shared>>
      tpu.enqueue_dma source(%dma_start3A_63 : memref<128x128xf32, #tpu.memory_space<vmem_shared>>) target(%arg14 : memref<128x128xf32, #tpu.memory_space<vmem>>) target_semaphore(%run_scoped3A : memref<!tpu.dma_semaphore, #tpu.memory_space<semaphore_mem>>)
      %dma_wait3A_64 = arith.constant 0 : i32
      %dma_wait3A_65 = tpu.memref_slice %arg18[%add3A_49, %dma_wait3A_64] : memref<10240x128xf32, #tpu.memory_space<vmem_shared>> -> memref<128x128xf32, #tpu.memory_space<vmem_shared>>
      %dma_wait3A_66 = arith.constant 0 : i32
      %dma_wait3A_67 = tpu.memref_slice %arg18[%add3A_49, %dma_wait3A_66] : memref<10240x128xf32, #tpu.memory_space<vmem_shared>> -> memref<128x128xf32, #tpu.memory_space<vmem_shared>>
      tpu.wait_dma2 semaphore(%run_scoped3A : memref<!tpu.dma_semaphore, #tpu.memory_space<semaphore_mem>>) src(%dma_wait3A_67 : memref<128x128xf32, #tpu.memory_space<vmem_shared>>) dst(%arg14 : memref<128x128xf32, #tpu.memory_space<vmem>>)
      tpu.yield
    }) : () -> ()
    "tpu.region"() ({
      %run_scoped3A = tpu.sem_alloc : memref<!tpu.dma_semaphore, #tpu.memory_space<semaphore_mem>>
      %dma_start3A_60 = arith.constant 0 : i32
      %dma_start3A_61 = tpu.memref_slice %arg8[%add3A_51, %dma_start3A_60] : memref<20480x128xf32, #tpu.memory_space<hbm>> -> memref<128x128xf32, #tpu.memory_space<hbm>>
      %dma_start3A_62 = arith.constant 0 : i32
      %dma_start3A_63 = tpu.memref_slice %arg8[%add3A_51, %dma_start3A_62] : memref<20480x128xf32, #tpu.memory_space<hbm>> -> memref<128x128xf32, #tpu.memory_space<hbm>>
      tpu.enqueue_dma source(%arg14 : memref<128x128xf32, #tpu.memory_space<vmem>>) target(%dma_start3A_63 : memref<128x128xf32, #tpu.memory_space<hbm>>) target_semaphore(%run_scoped3A : memref<!tpu.dma_semaphore, #tpu.memory_space<semaphore_mem>>)
      %dma_wait3A_64 = arith.constant 0 : i32
      %dma_wait3A_65 = tpu.memref_slice %arg8[%add3A_51, %dma_wait3A_64] : memref<20480x128xf32, #tpu.memory_space<hbm>> -> memref<128x128xf32, #tpu.memory_space<hbm>>
      %dma_wait3A_66 = arith.constant 0 : i32
      %dma_wait3A_67 = tpu.memref_slice %arg8[%add3A_51, %dma_wait3A_66] : memref<20480x128xf32, #tpu.memory_space<hbm>> -> memref<128x128xf32, #tpu.memory_space<hbm>>
      tpu.wait_dma2 semaphore(%run_scoped3A : memref<!tpu.dma_semaphore, #tpu.memory_space<semaphore_mem>>) src(%arg14 : memref<128x128xf32, #tpu.memory_space<vmem>>) dst(%dma_wait3A_67 : memref<128x128xf32, #tpu.memory_space<hbm>>)
      tpu.yield
    }) : () -> ()
    %add3A_52 = arith.constant 384 : i32
    %add3A_53 = arith.addi %mul3A_2, %add3A_52 : i32
    %add3A_54 = arith.constant 384 : i32
    %add3A_55 = arith.addi %add3A_39, %add3A_54 : i32
    "tpu.region"() ({
      %run_scoped3A = tpu.sem_alloc : memref<!tpu.dma_semaphore, #tpu.memory_space<semaphore_mem>>
      %dma_start3A_60 = arith.constant 0 : i32
      %dma_start3A_61 = tpu.memref_slice %arg18[%add3A_53, %dma_start3A_60] : memref<10240x128xf32, #tpu.memory_space<vmem_shared>> -> memref<128x128xf32, #tpu.memory_space<vmem_shared>>
      %dma_start3A_62 = arith.constant 0 : i32
      %dma_start3A_63 = tpu.memref_slice %arg18[%add3A_53, %dma_start3A_62] : memref<10240x128xf32, #tpu.memory_space<vmem_shared>> -> memref<128x128xf32, #tpu.memory_space<vmem_shared>>
      tpu.enqueue_dma source(%dma_start3A_63 : memref<128x128xf32, #tpu.memory_space<vmem_shared>>) target(%arg14 : memref<128x128xf32, #tpu.memory_space<vmem>>) target_semaphore(%run_scoped3A : memref<!tpu.dma_semaphore, #tpu.memory_space<semaphore_mem>>)
      %dma_wait3A_64 = arith.constant 0 : i32
      %dma_wait3A_65 = tpu.memref_slice %arg18[%add3A_53, %dma_wait3A_64] : memref<10240x128xf32, #tpu.memory_space<vmem_shared>> -> memref<128x128xf32, #tpu.memory_space<vmem_shared>>
      %dma_wait3A_66 = arith.constant 0 : i32
      %dma_wait3A_67 = tpu.memref_slice %arg18[%add3A_53, %dma_wait3A_66] : memref<10240x128xf32, #tpu.memory_space<vmem_shared>> -> memref<128x128xf32, #tpu.memory_space<vmem_shared>>
      tpu.wait_dma2 semaphore(%run_scoped3A : memref<!tpu.dma_semaphore, #tpu.memory_space<semaphore_mem>>) src(%dma_wait3A_67 : memref<128x128xf32, #tpu.memory_space<vmem_shared>>) dst(%arg14 : memref<128x128xf32, #tpu.memory_space<vmem>>)
      tpu.yield
    }) : () -> ()
    "tpu.region"() ({
      %run_scoped3A = tpu.sem_alloc : memref<!tpu.dma_semaphore, #tpu.memory_space<semaphore_mem>>
      %dma_start3A_60 = arith.constant 0 : i32
      %dma_start3A_61 = tpu.memref_slice %arg8[%add3A_55, %dma_start3A_60] : memref<20480x128xf32, #tpu.memory_space<hbm>> -> memref<128x128xf32, #tpu.memory_space<hbm>>
      %dma_start3A_62 = arith.constant 0 : i32
      %dma_start3A_63 = tpu.memref_slice %arg8[%add3A_55, %dma_start3A_62] : memref<20480x128xf32, #tpu.memory_space<hbm>> -> memref<128x128xf32, #tpu.memory_space<hbm>>
      tpu.enqueue_dma source(%arg14 : memref<128x128xf32, #tpu.memory_space<vmem>>) target(%dma_start3A_63 : memref<128x128xf32, #tpu.memory_space<hbm>>) target_semaphore(%run_scoped3A : memref<!tpu.dma_semaphore, #tpu.memory_space<semaphore_mem>>)
      %dma_wait3A_64 = arith.constant 0 : i32
      %dma_wait3A_65 = tpu.memref_slice %arg8[%add3A_55, %dma_wait3A_64] : memref<20480x128xf32, #tpu.memory_space<hbm>> -> memref<128x128xf32, #tpu.memory_space<hbm>>
      %dma_wait3A_66 = arith.constant 0 : i32
      %dma_wait3A_67 = tpu.memref_slice %arg8[%add3A_55, %dma_wait3A_66] : memref<20480x128xf32, #tpu.memory_space<hbm>> -> memref<128x128xf32, #tpu.memory_space<hbm>>
      tpu.wait_dma2 semaphore(%run_scoped3A : memref<!tpu.dma_semaphore, #tpu.memory_space<semaphore_mem>>) src(%arg14 : memref<128x128xf32, #tpu.memory_space<vmem>>) dst(%dma_wait3A_67 : memref<128x128xf32, #tpu.memory_space<hbm>>)
      tpu.yield
    }) : () -> ()
    %add3A_56 = arith.constant 512 : i32
    %add3A_57 = arith.addi %mul3A_2, %add3A_56 : i32
    %add3A_58 = arith.constant 512 : i32
    %add3A_59 = arith.addi %add3A_39, %add3A_58 : i32
    "tpu.region"() ({
      %run_scoped3A = tpu.sem_alloc : memref<!tpu.dma_semaphore, #tpu.memory_space<semaphore_mem>>
      %dma_start3A_60 = arith.constant 0 : i32
      %dma_start3A_61 = tpu.memref_slice %arg18[%add3A_57, %dma_start3A_60] : memref<10240x128xf32, #tpu.memory_space<vmem_shared>> -> memref<128x128xf32, #tpu.memory_space<vmem_shared>>
      %dma_start3A_62 = arith.constant 0 : i32
      %dma_start3A_63 = tpu.memref_slice %arg18[%add3A_57, %dma_start3A_62] : memref<10240x128xf32, #tpu.memory_space<vmem_shared>> -> memref<128x128xf32, #tpu.memory_space<vmem_shared>>
      tpu.enqueue_dma source(%dma_start3A_63 : memref<128x128xf32, #tpu.memory_space<vmem_shared>>) target(%arg14 : memref<128x128xf32, #tpu.memory_space<vmem>>) target_semaphore(%run_scoped3A : memref<!tpu.dma_semaphore, #tpu.memory_space<semaphore_mem>>)
      %dma_wait3A_64 = arith.constant 0 : i32
      %dma_wait3A_65 = tpu.memref_slice %arg18[%add3A_57, %dma_wait3A_64] : memref<10240x128xf32, #tpu.memory_space<vmem_shared>> -> memref<128x128xf32, #tpu.memory_space<vmem_shared>>
      %dma_wait3A_66 = arith.constant 0 : i32
      %dma_wait3A_67 = tpu.memref_slice %arg18[%add3A_57, %dma_wait3A_66] : memref<10240x128xf32, #tpu.memory_space<vmem_shared>> -> memref<128x128xf32, #tpu.memory_space<vmem_shared>>
      tpu.wait_dma2 semaphore(%run_scoped3A : memref<!tpu.dma_semaphore, #tpu.memory_space<semaphore_mem>>) src(%dma_wait3A_67 : memref<128x128xf32, #tpu.memory_space<vmem_shared>>) dst(%arg14 : memref<128x128xf32, #tpu.memory_space<vmem>>)
      tpu.yield
    }) : () -> ()
    "tpu.region"() ({
      %run_scoped3A = tpu.sem_alloc : memref<!tpu.dma_semaphore, #tpu.memory_space<semaphore_mem>>
      %dma_start3A_60 = arith.constant 0 : i32
      %dma_start3A_61 = tpu.memref_slice %arg8[%add3A_59, %dma_start3A_60] : memref<20480x128xf32, #tpu.memory_space<hbm>> -> memref<128x128xf32, #tpu.memory_space<hbm>>
      %dma_start3A_62 = arith.constant 0 : i32
      %dma_start3A_63 = tpu.memref_slice %arg8[%add3A_59, %dma_start3A_62] : memref<20480x128xf32, #tpu.memory_space<hbm>> -> memref<128x128xf32, #tpu.memory_space<hbm>>
      tpu.enqueue_dma source(%arg14 : memref<128x128xf32, #tpu.memory_space<vmem>>) target(%dma_start3A_63 : memref<128x128xf32, #tpu.memory_space<hbm>>) target_semaphore(%run_scoped3A : memref<!tpu.dma_semaphore, #tpu.memory_space<semaphore_mem>>)
      %dma_wait3A_64 = arith.constant 0 : i32
      %dma_wait3A_65 = tpu.memref_slice %arg8[%add3A_59, %dma_wait3A_64] : memref<20480x128xf32, #tpu.memory_space<hbm>> -> memref<128x128xf32, #tpu.memory_space<hbm>>
      %dma_wait3A_66 = arith.constant 0 : i32
      %dma_wait3A_67 = tpu.memref_slice %arg8[%add3A_59, %dma_wait3A_66] : memref<20480x128xf32, #tpu.memory_space<hbm>> -> memref<128x128xf32, #tpu.memory_space<hbm>>
      tpu.wait_dma2 semaphore(%run_scoped3A : memref<!tpu.dma_semaphore, #tpu.memory_space<semaphore_mem>>) src(%arg14 : memref<128x128xf32, #tpu.memory_space<vmem>>) dst(%dma_wait3A_67 : memref<128x128xf32, #tpu.memory_space<hbm>>)
      tpu.yield
    }) : () -> ()
    "tpu.region"() ({
      %run_scoped3A = tpu.sem_alloc : memref<!tpu.dma_semaphore, #tpu.memory_space<semaphore_mem>>
      %dma_start3A_60 = tpu.memref_slice %arg19[%mul3A_2] : memref<10240xf32, #tpu.memory_space<vmem_shared>> -> memref<640xf32, #tpu.memory_space<vmem_shared>>
      %dma_start3A_61 = tpu.memref_slice %arg19[%mul3A_2] : memref<10240xf32, #tpu.memory_space<vmem_shared>> -> memref<640xf32, #tpu.memory_space<vmem_shared>>
      tpu.enqueue_dma source(%dma_start3A_61 : memref<640xf32, #tpu.memory_space<vmem_shared>>) target(%arg17 : memref<640xf32, #tpu.memory_space<vmem>>) target_semaphore(%run_scoped3A : memref<!tpu.dma_semaphore, #tpu.memory_space<semaphore_mem>>)
      %dma_wait3A_62 = tpu.memref_slice %arg19[%mul3A_2] : memref<10240xf32, #tpu.memory_space<vmem_shared>> -> memref<640xf32, #tpu.memory_space<vmem_shared>>
      %dma_wait3A_63 = tpu.memref_slice %arg19[%mul3A_2] : memref<10240xf32, #tpu.memory_space<vmem_shared>> -> memref<640xf32, #tpu.memory_space<vmem_shared>>
      tpu.wait_dma2 semaphore(%run_scoped3A : memref<!tpu.dma_semaphore, #tpu.memory_space<semaphore_mem>>) src(%dma_wait3A_63 : memref<640xf32, #tpu.memory_space<vmem_shared>>) dst(%arg17 : memref<640xf32, #tpu.memory_space<vmem>>)
      tpu.yield
    }) : () -> ()
    "tpu.region"() ({
      %run_scoped3A = tpu.sem_alloc : memref<!tpu.dma_semaphore, #tpu.memory_space<semaphore_mem>>
      %dma_start3A_60 = tpu.memref_slice %arg9[%add3A_39] : memref<20480xf32, #tpu.memory_space<hbm>> -> memref<640xf32, #tpu.memory_space<hbm>>
      %dma_start3A_61 = tpu.memref_slice %arg9[%add3A_39] : memref<20480xf32, #tpu.memory_space<hbm>> -> memref<640xf32, #tpu.memory_space<hbm>>
      tpu.enqueue_dma source(%arg17 : memref<640xf32, #tpu.memory_space<vmem>>) target(%dma_start3A_61 : memref<640xf32, #tpu.memory_space<hbm>>) target_semaphore(%run_scoped3A : memref<!tpu.dma_semaphore, #tpu.memory_space<semaphore_mem>>)
      %dma_wait3A_62 = tpu.memref_slice %arg9[%add3A_39] : memref<20480xf32, #tpu.memory_space<hbm>> -> memref<640xf32, #tpu.memory_space<hbm>>
      %dma_wait3A_63 = tpu.memref_slice %arg9[%add3A_39] : memref<20480xf32, #tpu.memory_space<hbm>> -> memref<640xf32, #tpu.memory_space<hbm>>
      tpu.wait_dma2 semaphore(%run_scoped3A : memref<!tpu.dma_semaphore, #tpu.memory_space<semaphore_mem>>) src(%arg17 : memref<640xf32, #tpu.memory_space<vmem>>) dst(%dma_wait3A_63 : memref<640xf32, #tpu.memory_space<hbm>>)
      tpu.yield
    }) : () -> ()
    return
  }
}

module attributes {stable_mosaic.version = 14 : i64} {
  func.func @_combine_body(%arg0: i32, %arg1: memref<2x512x128xf32, #tpu.memory_space<vmem>>, %arg2: memref<2x512x1xf32, #tpu.memory_space<vmem>>, %arg3: memref<512x128xf32, #tpu.memory_space<vmem>>) attributes {dimension_semantics = [#tpu.dimension_semantics<arbitrary>], iteration_bounds = array<i64: 20>, scalar_prefetch = 0 : i64, scratch_operands = 0 : i64, tpu.core_type = #tpu.core_type<tc>, window_params = [{transform_indices = @transform_0, window_bounds = array<i64: 2, 512, 128>}, {transform_indices = @transform_1, window_bounds = array<i64: 2, 512, 1>}, {transform_indices = @transform_2, window_bounds = array<i64: 512, 128>}]} {
    %get3A = arith.constant 0 : index
    %get3A_0 = arith.constant 0 : index
    %get3A_1 = arith.constant 0 : index
    %get3A_2 = vector.load %arg1[%get3A, %get3A_0, %get3A_1] : memref<2x512x128xf32, #tpu.memory_space<vmem>>, vector<1x512x128xf32>
    %get3A_3 = vector.shape_cast %get3A_2 : vector<1x512x128xf32> to vector<512x128xf32>
    %get3A_4 = arith.constant 1 : index
    %get3A_5 = arith.constant 0 : index
    %get3A_6 = arith.constant 0 : index
    %get3A_7 = vector.load %arg1[%get3A_4, %get3A_5, %get3A_6] : memref<2x512x128xf32, #tpu.memory_space<vmem>>, vector<1x512x128xf32>
    %get3A_8 = vector.shape_cast %get3A_7 : vector<1x512x128xf32> to vector<512x128xf32>
    %get3A_9 = arith.constant 0 : index
    %get3A_10 = arith.constant 0 : index
    %get3A_11 = arith.constant 0 : index
    %get3A_12 = vector.load %arg2[%get3A_9, %get3A_10, %get3A_11] : memref<2x512x1xf32, #tpu.memory_space<vmem>>, vector<1x512x1xf32>
    %get3A_13 = vector.shape_cast %get3A_12 : vector<1x512x1xf32> to vector<512x1xf32>
    %get3A_14 = arith.constant 1 : index
    %get3A_15 = arith.constant 0 : index
    %get3A_16 = arith.constant 0 : index
    %get3A_17 = vector.load %arg2[%get3A_14, %get3A_15, %get3A_16] : memref<2x512x1xf32, #tpu.memory_space<vmem>>, vector<1x512x1xf32>
    %get3A_18 = vector.shape_cast %get3A_17 : vector<1x512x1xf32> to vector<512x1xf32>
    %add3A = arith.addf %get3A_13, %get3A_18 : vector<512x1xf32>
    %add3A_19 = arith.addf %get3A_3, %get3A_8 : vector<512x128xf32>
    %max3A = arith.constant 1.000000e+00 : f32
    %max3A_20 = vector.broadcast %max3A : f32 to vector<512x1xf32>
    %max3A_21 = arith.maximumf %add3A, %max3A_20 : vector<512x1xf32>
    %div3A = vector.broadcast %max3A_21 : vector<512x1xf32> to vector<512x128xf32>
    %div3A_22 = arith.divf %add3A_19, %div3A : vector<512x128xf32>
    %swap3A = arith.constant 0 : index
    %swap3A_23 = arith.constant 0 : index
    %swap3A_24 = vector.load %arg3[%swap3A, %swap3A_23] : memref<512x128xf32, #tpu.memory_space<vmem>>, vector<512x128xf32>
    tpu.vector_store %arg3[%swap3A, %swap3A_23], %div3A_22 {strides = array<i32>} : memref<512x128xf32, #tpu.memory_space<vmem>>, vector<512x128xf32>,
    return
  }
  func.func @transform_0(%arg0: i32) -> (i32, i32, i32) {
    %c0_i32 = arith.constant 0 : i32
    %c0_i32_0 = arith.constant 0 : i32
    %c0_i32_1 = arith.constant 0 : i32
    return %c0_i32, %arg0, %c0_i32_0 : i32, i32, i32
  }
  func.func @transform_1(%arg0: i32) -> (i32, i32, i32) {
    %c0_i32 = arith.constant 0 : i32
    %c0_i32_0 = arith.constant 0 : i32
    %c0_i32_1 = arith.constant 0 : i32
    return %c0_i32, %arg0, %c0_i32_0 : i32, i32, i32
  }
  func.func @transform_2(%arg0: i32) -> (i32, i32) {
    %c0_i32 = arith.constant 0 : i32
    %c0_i32_0 = arith.constant 0 : i32
    return %arg0, %c0_i32 : i32, i32
  }
}

</mosaic_0001>

<sc_bundles>
// kernel: kernel.4.cloned.1.call-start
scs
__scs_entry_jumppad:
0x0: {  	(pc) =	sbr.rel $0x88, $3  }
0x1: {  	(tag) =	ssettag $0x0;
	lr =	simm.s32 $0x1  }
0x2: {  	[smem:$0x3F9F] =	sst lr;
	_ =	strace $0xD0000000  }
0x3: {  	_ = 	snop  }
0x4: {  	_ = 	snop  }
0x5: {  	_ = 	snop  }
0x6: {  	_ = 	snop  }
0x7: {  	_ = 	snop  }
__scs_overlays_trampoline_lowered:
0x8: {  	[smem:$0x3FAE] =	sst s0  }
0x9: {  	[smem:$0x3FAF] =	sst s1  }
0xa: {  	[smem:$0x3FB0] =	sst s2  }
0xb: {  	[smem:$0x3FB1] =	sst s3  }
0xc: {  	[smem:$0x3FB2] =	sst s4  }
0xd: {  	[smem:$0x3FB3] =	sst s5  }
0xe: {  	[smem:$0x3FB4] =	sst s6  }
0xf: {  	[smem:$0x3FB5] =	sst s7  }
0x10: {  	[smem:$0x3FB6] =	sst s8  }
0x11: {  	[smem:$0x3FB7] =	sst s9;
	s0 =	simm.s32 @!p0 $0x0  }
0x12: {  	s1 =	sld [smem:$0x3F9D];
	s0 =	simm.s32 @p0 $0x1  }
0x13: {  	[smem:$0x3FB8] =	sst s0;
	s0 =	simm.s32 @!p1 $0x0  }
0x14: {  	s2 =	sld [smem:$0x3F9C];
	s0 =	simm.s32 @p1 $0x1  }
0x15: {  	[smem:$0x3FB9] =	sst s0;
	s0 =	simm.s32 @!p2 $0x0  }
0x16: {  	s3 =	sld [smem:$0x3FDB];
	s0 =	simm.s32 @p2 $0x1  }
0x17: {  	s4 =	simm.s32 $0x1BF5;
	[smem:$0x3FBB] =	sst s0  }
0x18: {  	s0 =	sld [smem:$0x3F9E];
	_ =	swait.ge [sflag:s4], $0x0  }
0x19: {  	s7 =	sld [smem:$0x3F9F]  }
0x1a: {  	s8 =	sadd.s32 $0xFFFFE003, lr  }
0x1b: {  	s9 =	sadd.s32 $0xFFFFFEF7, lr;
	s5 =	simm.s32 $0xFFFFFFFF;
	p2 =	slt.u32 s8, $0xFFFFF086  }
0x1c: {  	p1 =	slt.u32 s9, $0xF7A;
	s5 =	simm.s32 @!p2 $0x0  }
0x1d: {  	s5 =	simm.s32 @p1 $0x1;
	p0 =	seq.s32 s7, s2  }
0x1e: {  	s7 =	smul.u32 @!p0 $0xF7A, s2;
	p2 =	seq.s32 @!p0 s5, $0x0  }
0x1f: {  	s9 =	smul.u32 $0xF7A, s1;
	s8 =	simm.s32 @!p0 $0x1BF5;
	p2 =	por !p2, p0  }
0x20: {  	[sflag:s8] =	ssyncset.s32 @!p0 $0xFFFFF086;
	s6 =	sadd.s32 @!p0 s3, s7;
	s7 =	simm.s32 @!p0 $0x108  }
0x21: {  	s3 =	sadd.s32 s3, s9;
	s6 =	sadd.s32 @!p0 $0x88, s6;
	s7 =	simm.s32 @p2 $0x1082  }
0x22: {  	[simem:s7], [sflag:s8] =	dma.local @!p0 [hbm:s6], $0xF7A  }
0x23: {  	s9 =	sor.u32 $0xD0000000, s2;
	s6 =	simm.s32 $0x108;
	_ =	swait.ge @!p0 [sflag:s8], $0x0  }
0x24: {  	s3 =	sadd.s32 $0x88, s3;
	s6 =	simm.s32 @!p1 $0x1082;
	[sflag:s4] =	ssyncset.s32 $0xFFFFF086  }
0x25: {  	[simem:s6], [sflag:s4] =	dma.local [hbm:s3], $0xF7A  }
0x26: {  	[smem:$0x3F9F] =	sst s1;
	(tag) =	ssettag s2;
	_ =	strace s9  }
0x27: {  	s1 =	sld [smem:$0x3FAF]  }
0x28: {  	s2 =	sld [smem:$0x3FB0]  }
0x29: {  	s4 =	sld [smem:$0x3FB2]  }
0x2a: {  	p0 =	seq.s32 s5, $0x0;
	s5 =	sld [smem:$0x3FB3]  }
0x2b: {  	s6 =	sld [smem:$0x3FB4]  }
0x2c: {  	s7 =	sld [smem:$0x3FB5]  }
0x2d: {  	s3 =	simm.s32 $0x108;
	s8 =	sld [smem:$0x3FB6]  }
0x2e: {  	s3 =	simm.s32 @!p0 $0x1082;
	s9 =	sld [smem:$0x3FB7]  }
0x2f: {  	lr =	sadd.s32 s0, s3;
	s0 =	sld [smem:$0x3FAE]  }
0x30: {  	s3 =	sld [smem:$0x3FB1]  }
0x31: {  	[smem:$0x3FBA] =	sst s10  }
0x32: {  	s10 =	sld [smem:$0x3FB8];
	_ =	sdelay $0x3  }
0x33: {  	p0 =	seq.s32 s10, $0x1;
	s10 =	sld [smem:$0x3FBA];
	_ =	sdelay $0x3  }
0x34: {  	[smem:$0x3FBA] =	sst s10  }
0x35: {  	s10 =	sld [smem:$0x3FB9];
	_ =	sdelay $0x3  }
0x36: {  	p1 =	seq.s32 s10, $0x1;
	s10 =	sld [smem:$0x3FBA];
	_ =	sdelay $0x3  }
0x37: {  	[smem:$0x3FBA] =	sst s10  }
0x38: {  	s10 =	sld [smem:$0x3FBB]  }
0x39: {  	_ = 	snop;
	(pc) =	sbr.ind lr, $3  }
0x3a: {  	_ = 	snop  }
0x3b: {  	_ = 	snop  }
0x3c: {  	p2 =	seq.s32 s10, $0x1;
	s10 =	sld [smem:$0x3FBA]  }
0x3d: {  	_ =	shalt  }
0x3e: {  	_ =	shalt  }
0x3f: {  	_ =	shalt  }
0x40: {  	_ =	shalt  }
0x41: {  	_ =	shalt  }
0x42: {  	_ =	shalt  }
0x43: {  	_ =	shalt  }
0x44: {  	_ =	shalt  }
0x45: {  	_ =	shalt  }
0x46: {  	_ =	shalt  }
0x47: {  	_ =	shalt  }
0x48: {  	_ =	shalt  }
0x49: {  	_ =	shalt  }
0x4a: {  	_ =	shalt  }
0x4b: {  	_ =	shalt  }
0x4c: {  	_ =	shalt  }
0x4d: {  	_ =	shalt  }
0x4e: {  	_ =	shalt  }
0x4f: {  	_ =	shalt  }
0x50: {  	_ =	shalt  }
0x51: {  	_ =	shalt  }
0x52: {  	_ =	shalt  }
0x53: {  	_ =	shalt  }
0x54: {  	_ =	shalt  }
0x55: {  	_ =	shalt  }
0x56: {  	_ =	shalt  }
0x57: {  	_ =	shalt  }
0x58: {  	_ =	shalt  }
0x59: {  	_ =	shalt  }
0x5a: {  	_ =	shalt  }
0x5b: {  	_ =	shalt  }
0x5c: {  	_ =	shalt  }
0x5d: {  	_ =	shalt  }
0x5e: {  	_ =	shalt  }
0x5f: {  	_ =	shalt  }
0x60: {  	_ =	shalt  }
0x61: {  	_ =	shalt  }
0x62: {  	_ =	shalt  }
0x63: {  	_ =	shalt  }
0x64: {  	_ =	shalt  }
0x65: {  	_ =	shalt  }
0x66: {  	_ =	shalt  }
0x67: {  	_ =	shalt  }
0x68: {  	_ =	shalt  }
0x69: {  	_ =	shalt  }
0x6a: {  	_ =	shalt  }
0x6b: {  	_ =	shalt  }
0x6c: {  	_ =	shalt  }
0x6d: {  	_ =	shalt  }
0x6e: {  	_ =	shalt  }
0x6f: {  	_ =	shalt  }
0x70: {  	_ =	shalt  }
0x71: {  	_ =	shalt  }
0x72: {  	_ =	shalt  }
0x73: {  	_ =	shalt  }
0x74: {  	_ =	shalt  }
0x75: {  	_ =	shalt  }
0x76: {  	_ =	shalt  }
0x77: {  	_ =	shalt  }
0x78: {  	_ =	shalt  }
0x79: {  	_ =	shalt  }
0x7a: {  	_ =	shalt  }
0x7b: {  	_ =	shalt  }
0x7c: {  	_ =	shalt  }
0x7d: {  	_ =	shalt  }
0x7e: {  	_ =	shalt  }
0x7f: {  	_ =	shalt  }
0x80: {  	_ =	shalt  }
0x81: {  	_ =	shalt  }
0x82: {  	_ =	shalt  }
0x83: {  	_ =	shalt  }
0x84: {  	_ =	shalt  }
0x85: {  	_ =	shalt  }
0x86: {  	_ =	shalt  }
0x87: {  	_ =	shalt  }
.Lfunc_end0:
.L_simem_size_0:
called_computation_lowered:
.L_overlay_start_0:
0x88: {  	s2 =	sld [smem:$0x3FD9]  }
0x89: {  	s3 =	sld [smem:$0x3FFE];
	_ =	sdelay $0x1  }
0x8a: {  	s1 =	srdreg.scid  }
0x8b: {  	s0 =	sand.u32 $0x1, s1  }
0x8c: {  	s17 =	sshll.u32 s0, $0xA;
	s2 =	sadd.s32 s3, s2  }
0x8d: {  	s2 =	sadd.s32 s2, s17  }
0x8e: {  	[smem:$0x3FC6] =	sst s2  }
0x8f: {  	_ = 	snop  }
0x90: {  	s2 =	sld [smem:$0x3FC9]  }
0x91: {  	s18 =	sld [smem:$0x3FD0];
	(tm) =	ssettm $0x1  }
0x92: {  	s4 =	sld [smem:$0x3FFB];
	_ =	sdelay $0x3  }
0x93: {  	_ =	strace s4  }
0x94: {  	s4 =	sld [smem:$0x3FFC];
	_ =	sdelay $0x3  }
0x95: {  	_ =	strace s4  }
0x96: {  	s4 =	sld [smem:$0x3FFD];
	_ =	sdelay $0x3  }
0x97: {  	_ =	strace s4  }
0x98: {  	_ =	strace $0x8FFFFFFF  }
0x99: {  	s19 =	sld [smem:$0x3FDB];
	_ =	sdelay $0x1  }
0x9a: {  	s5 =	simm.s32 $_scs_section_size  }
0x9b: {  	s6 =	simm.s32 $_size__tile_overlayer_lowered;
	s7 =	simm.s32 $_tile_overlayer_lowered  }
0x9c: {  	s22 =	simm.s32 $0x1BFF;
	s21 =	sshll.u32 s7, $0x1;
	s4 =	sadd.s32 s5, s19  }
0x9d: {  	s8 =	simm.s32 $0x0;
	s20 =	sshll.u32 s6, $0x1;
	s6 =	sadd.s32 s21, s4  }
0x9e: {  	[timem:s8], [sflag:s22] =	dma.local [hbm:s6], s20  }
0x9f: {  	_ =	swait.ge [sflag:s22], s20  }
0xa0: {  	s5 =	ssub.s32 $0x0, s20;
	[sflag:s22] =	ssyncset.done $0x0  }
0xa1: {  	[sflag:s22] =	ssyncadd.s32 s5;
	_ =	sdelay $0x1  }
0xa2: {  	s23 =	simm.s32 $0x1B8B  }
0xa3: {  	_ =	swait.ge [sflag:s23], $0x1  }
0xa4: {  	[sflag:s23] =	ssyncset.done $0x0  }
0xa5: {  	s25 =	simm.s32 $0x1B8E;
	s24 =	sld [smem:$0x3FFE];
	[sflag:s23] =	ssyncadd.s32 $0xFFFFFFFF  }
0xa6: {  	s26 =	simm.s32 $execute0_lowered;
	[smem:$0x3FD2] =	sst s25  }
0xa7: {  	s6 =	sshll.u32 s26, $0x1;
	_ =	strace $0x80000046;
	[dreg:$0x1] =	wrdreg $0xFFFFFFFF  }
0xa8: {  	s28 =	simm.s32 $_size_execute0_lowered;
	s4 =	sadd.s32 s4, s6;
	[dreg:$0x0] =	wrdreg $0x0  }
0xa9: {  	s6 =	sshll.u32 s28, $0x1;
	[dreg:$0x2] =	wrdreg s4  }
0xaa: {  	[dreg:$0x3] =	wrdreg s6  }
0xab: {  	[dreg:$0x4] =	wrdreg $0xC0  }
0xac: {  	_ =	task [dreg:s8], $0x5FFFF  }
0xad: {  	[dreg:$0x1] =	wrdreg $0xFFFFFFFF  }
0xae: {  	[dreg:$0x0] =	wrdreg $0x60  }
0xaf: {  	[dreg:$0x2] =	wrdreg s2  }
0xb0: {  	[dreg:$0x3] =	wrdreg s18  }
0xb1: {  	[dreg:$0x4] =	wrdreg s24  }
0xb2: {  	[dreg:$0x5] =	wrdreg $0x85000  }
0xb3: {  	[dreg:$0x6] =	wrdreg $0x1C5000  }
0xb4: {  	[dreg:$0x7] =	wrdreg $0x9  }
0xb5: {  	_ =	task.clear_ibuf [dreg:s8], $0x8FFFF;
	_ =	strace $0x90000046  }
0xb6: {  	s29 =	simm.s32 $0x9;
	_ =	strace $0x80000048  }
0xb7: {  	_ =	swait.ge [sflag:s29], $0x1  }
0xb8: {  	[sflag:s29] =	ssyncadd.s32 $0xFFFFFFFF  }
0xb9: {  	_ =	strace $0x90000048  }
0xba: {  	_ =	sfence  }
0xbb: {  	s30 =	sld [smem:$0x0];
	_ =	sdelay $0x2  }
0xbc: {  	s31 =	sshll.u32 s1, $0xD;
	s1 =	sshrl.u32 s1, $0x2  }
0xbd: {  	s3 =	sand.u32 $0x4000, s31;
	s1 =	sadd.s32 s1, s30  }
0xbe: {  	s0 =	sor.u32 s3, s0;
	s1 =	sshll.u32 s1, $0x11  }
0xbf: {  	s0 =	sor.u32 s1, s0  }
0xc0: {  	s0 =	sadd.s32 $0x8F2B, s0  }
0xc1: {  	[sflag:s0] =	ssyncadd.remote.s32 $0x1  }
0xc2: {  	_ =	sfence.sel $0xFFFF  }
0xc3: {  	[dreg:$0x0] =	wrdreg $0xFFFFFFFF;
	(pc) =	sbr.abs _section_cstart, $3  }
0xc4: {  	[dreg:$0x1] =	wrdreg $0xFFFFFFFF  }
0xc5: {  	_ =	task.clear_ibuf [dreg:s8], $0x2FFFF;
	_ =	strace $0x9FFFFFFF  }
0xc6: {  	(tm) =	ssettm $0x7FFFFFFF  }
0xc7: {  	_ =	shalt  }
tec
execute0_lowered:
.L_overlay_start_1:
0x0: {  	(tag) =	ssettag $0x1  }
0x1: {  	s0 =	rddreg [dreg:$0x0]  }
0x2: {  	s1 =	rddreg [dreg:$0x1]  }
0x3: {  	s2 =	rddreg [dreg:$0x2]  }
0x4: {  	s3 =	rddreg [dreg:$0x3];
	s5 =	srdreg.scid  }
0x5: {  	s15 =	stileid.u32;
	s4 =	rddreg [dreg:$0x4]  }
0x6: {  	s31 =	simm.s32 $0x200;
	s6 =	sand.u32 $0x1, s5;
	s7 =	smul.u32 $0x280, s15  }
0x7: {  	s5 =	simm.s32 $0x0;
	s11 =	sadd.s32 $0x400, s2;
	s16 =	smul.u32 $0x50000, s15  }
0x8: {  	s9 =	sadd.s32 $0xAC00, s2;
	s10 =	sadd.s32 $0xA400, s2;
	s19 =	smul.u32 $0x2800, s15  }
0x9: {  	s13 =	sadd.s32 $0xA600, s2;
	s8 =	smul.u32 $0x2800, s6;
	[smem:$0x7FF] =	sst s5  }
0xa: {  	s14 =	sshll.u32 s6, $0x4;
	_ =	strace $0x80000047;
	[dreg:$0x6] =	wrdreg s9  }
0xb: {  	s17 =	ssub.s32 $0x2, s6;
	s6 =	smul.u32 $0x28000, s6;
	[dreg:$0x7] =	wrdreg s10  }
0xc: {  	[dreg:$0x8] =	wrdreg s13;
	s9 =	sor.u32 s15, s14;
	s13 =	sshrl.u32 s17, $0x1  }
0xd: {  	s10 =	sshrl.u32 s16, $0x2;
	s15 =	simm.s32 $0x0;
	s8 =	sadd.s32 s7, s8  }
0xe: {  	s14 =	smul.u32 $0x2800, s9;
	s9 =	sadd.s32 s10, s3;
	s10 =	sadd.s32 s7, s4  }
0xf: {  	s6 =	sadd.s32 s19, s6;
	s12 =	sshll.u32 s8, $0x4;
	s8 =	sshrl.u32 s8, $0x3  }
0x10: {  	s24 =	sor.u32 $0x180, s6;
	s6 =	sor.u32 $0x100, s6;
	s28 =	sadd.s32 $0x8000, s9  }
0x11: {  	s29 =	sadd.s32 $0xC000, s9;
	s30 =	sadd.s32 $0x10000, s9;
	s18 =	sshrl.u32 s14, $0x3  }
0x12: {  	s12 =	sadd.s32 s12, s2;
	s2 =	sadd.s32 s8, s2;
	s14 =	sadd.s32 s1, s18  }
0x13: {  	s8 =	ssub.s32 s17, s13;
	s20 =	sadd.s32 s11, s18;
	[dreg:$0x9] =	wrdreg s14  }
0x14: {  	s6 =	sshrl.u32 s6, $0x3;
	s22 =	sadd.s32 $0xBE00, s12;
	[dreg:$0xa] =	wrdreg s20  }
0x15: {  	s13 =	simm.s32 $0x1;
	s23 =	sadd.s32 $0xC600, s12;
	[dreg:$0xd] =	wrdreg s22  }
0x16: {  	s7 =	sor.u32 $0x10, s18;
	s25 =	sadd.s32 $0xCE00, s12;
	[dreg:$0xe] =	wrdreg s23  }
0x17: {  	s26 =	sadd.s32 $0xD600, s12;
	s21 =	sadd.s32 s1, s7;
	[dreg:$0xf] =	wrdreg s25  }
0x18: {  	s7 =	sadd.s32 s11, s7;
	s20 =	sadd.s32 s6, s11;
	[dreg:$0x10] =	wrdreg s26  }
0x19: {  	s23 =	sadd.s32 $0xDE00, s12;
	s25 =	smax.u32 s8, $0x1;
	s26 =	sadd.s32 $0x4000, s9  }
0x1a: {  	s8 =	simm.s32 $0x80;
	s12 =	simm.s32 $0x4200;
	[dreg:$0xb] =	wrdreg s21  }
0x1b: {  	s14 =	simm.s32 $0x2;
	[dreg:$0xc] =	wrdreg s7;
	s7 =	sshrl.u32 s24, $0x3  }
0x1c: {  	s21 =	sadd.s32 s6, s1;
	s24 =	sadd.s32 $0xB400, s2;
	s2 =	simm.s32 $0x3  }
0x1d: {  	s6 =	simm.s32 $0x8280;
	s18 =	sadd.s32 s7, s11;
	s19 =	sadd.s32 s7, s1  }
0x1e: {  	s1 =	simm.s32 $0x8200;
	s7 =	simm.s32 $0x100;
	s11 =	simm.s32 $0x180  }
.LBB2_1:
0x1f: {  	s16 =	rddreg [dreg:$0x6]  }
0x20: {  	[tilespmem:s31], [sflag:$0x3] =	stream.linear.gather [hbm4b:s16+s5], $0x4000, $0x38;
	[tilespmem:$0x1C780] =	vst v63  }
0x21: {  	_ =	swait.ge [sflag:s2], $0x4000  }
0x22: {  	[sflag:s2] =	ssyncset.done $0x0  }
0x23: {  	s17 =	rddreg [dreg:$0x7];
	[sflag:s2] =	ssyncadd.s32 $0xFFFFC000  }
0x24: {  	[tilespmem:s1], [sflag:$0x3] =	stream.linear.gather [hbm4b:s17+s5], $0x80, $0x38;
	[tilespmem:$0x1C780] =	vst v63  }
0x25: {  	_ =	swait.ge [sflag:s2], $0x80  }
0x26: {  	[sflag:s2] =	ssyncset.done $0x0  }
0x27: {  	s22 =	rddreg [dreg:$0x8];
	[sflag:s2] =	ssyncadd.s32 $0xFFFFFF80  }
0x28: {  	[tilespmem:s6], [sflag:$0x3] =	stream.linear.gather [hbm4b:s22+s5], $0x280, $0x38;
	[tilespmem:$0x1C780] =	vst v63  }
0x29: {  	_ =	swait.ge [sflag:s2], $0x280  }
0x2a: {  	[sflag:s2] =	ssyncset.done $0x0  }
0x2b: {  	[sflag:s2] =	ssyncadd.s32 $0xFFFFFD80  }
0x2c: {  	[spmem:s9] =	stream.linear.scatter [tilespmem:s31], [sflag:$0x3], $0x4000, $0x38;
	[tilespmem:$0x1C780] =	vst v63  }
0x2d: {  	_ =	swait.ge [sflag:s2], $0x4000  }
0x2e: {  	[sflag:s2] =	ssyncset.done $0x0  }
0x2f: {  	[sflag:s2] =	ssyncadd.s32 $0xFFFFC000  }
0x30: {  	[spmem:s26] =	stream.linear.scatter [tilespmem:s31], [sflag:$0x3], $0x4000, $0x38;
	[tilespmem:$0x1C780] =	vst v63  }
0x31: {  	_ =	swait.ge [sflag:s2], $0x4000  }
0x32: {  	[sflag:s2] =	ssyncset.done $0x0  }
0x33: {  	[sflag:s2] =	ssyncadd.s32 $0xFFFFC000  }
0x34: {  	[spmem:s28] =	stream.linear.scatter [tilespmem:s31], [sflag:$0x3], $0x4000, $0x38;
	[tilespmem:$0x1C780] =	vst v63  }
0x35: {  	_ =	swait.ge [sflag:s2], $0x4000  }
0x36: {  	[sflag:s2] =	ssyncset.done $0x0  }
0x37: {  	[sflag:s2] =	ssyncadd.s32 $0xFFFFC000  }
0x38: {  	[spmem:s29] =	stream.linear.scatter [tilespmem:s31], [sflag:$0x3], $0x4000, $0x38;
	[tilespmem:$0x1C780] =	vst v63  }
0x39: {  	_ =	swait.ge [sflag:s2], $0x4000  }
0x3a: {  	[sflag:s2] =	ssyncset.done $0x0  }
0x3b: {  	[sflag:s2] =	ssyncadd.s32 $0xFFFFC000  }
0x3c: {  	[spmem:s30] =	stream.linear.scatter [tilespmem:s31], [sflag:$0x3], $0x4000, $0x38;
	[tilespmem:$0x1C780] =	vst v63  }
0x3d: {  	_ =	swait.ge [sflag:s2], $0x4000  }
0x3e: {  	[sflag:s2] =	ssyncset.done $0x0  }
0x3f: {  	[sflag:s2] =	ssyncadd.s32 $0xFFFFC000  }
0x40: {  	[spmem:s10] =	stream.linear.scatter [tilespmem:s6], [sflag:$0x3], $0x280, $0x38;
	[tilespmem:$0x1C780] =	vst v63  }
0x41: {  	_ =	swait.ge [sflag:s2], $0x280  }
0x42: {  	[sflag:s2] =	ssyncset.done $0x0  }
0x43: {  	[sflag:s2] =	ssyncadd.s32 $0xFFFFFD80  }
0x44: {  	[bflag:$0x0] =	sbarrier.arrive $0xFFFF  }
0x45: {  	s17 =	rddreg [dreg:$0x9]  }
0x46: {  	[tilespmem:s5], [sflag:$0x3] =	stream.linear.gather [hbm4b:s17+s5], $0x80, $0x38;
	[tilespmem:$0x1C780] =	vst v63  }
0x47: {  	_ =	swait.ge [sflag:s2], $0x80  }
0x48: {  	[sflag:s2] =	ssyncset.done $0x0  }
0x49: {  	s22 =	rddreg [dreg:$0xa];
	[sflag:s2] =	ssyncadd.s32 $0xFFFFFF80  }
0x4a: {  	[tilespmem:s7], [sflag:$0x3] =	stream.linear.gather [hbm4b:s22+s5], $0x80, $0x38;
	[tilespmem:$0x1C780] =	vst v63  }
0x4b: {  	_ =	swait.ge [sflag:s2], $0x80  }
0x4c: {  	[sflag:s2] =	ssyncset.done $0x0  }
0x4d: {  	[sflag:s2] =	ssyncadd.s32 $0xFFFFFF80  }
0x4e: {  	[tilespmem:s31], [sflag:$0x1] =	stream.indirect.gather [hbm4b:s0+s8], $0x80, s5, s8, $0xb8;
	[tilespmem:$0x1C780] =	vst v63  }
0x4f: {  	s17 =	rddreg [dreg:$0xb]  }
0x50: {  	[tilespmem:s8], [sflag:$0x3] =	stream.linear.gather [hbm4b:s17+s5], $0x80, $0x38;
	[tilespmem:$0x1C780] =	vst v63  }
0x51: {  	_ =	swait.ge [sflag:s2], $0x80  }
0x52: {  	[sflag:s2] =	ssyncset.done $0x0  }
0x53: {  	s22 =	rddreg [dreg:$0xc];
	[sflag:s2] =	ssyncadd.s32 $0xFFFFFF80  }
0x54: {  	[tilespmem:s11], [sflag:$0x3] =	stream.linear.gather [hbm4b:s22+s5], $0x80, $0x38;
	[tilespmem:$0x1C780] =	vst v63  }
0x55: {  	_ =	swait.ge [sflag:s2], $0x80  }
0x56: {  	[sflag:s2] =	ssyncset.done $0x0  }
0x57: {  	[sflag:s2] =	ssyncadd.s32 $0xFFFFFF80  }
0x58: {  	[tilespmem:s12], [sflag:$0x2] =	stream.indirect.gather [hbm4b:s0+s8], $0x80, s8, s8, $0xb8;
	[tilespmem:$0x1C780] =	vst v63  }
0x59: {  	_ =	swait.ge [sflag:s13], $0x4000  }
0x5a: {  	[sflag:s13] =	ssyncset.done $0x0  }
0x5b: {  	[sflag:s13] =	ssyncadd.s32 $0xFFFFC000  }
0x5c: {  	[spmem:s3] =	stream.indirect.scatter.add.f32 [tilespmem:s31], [sflag:$0x3], $0x80, s7, s8, $0xb8;
	[tilespmem:$0x1C780] =	vst v63  }
0x5d: {  	_ =	swait.ge [sflag:s2], $0x4000  }
0x5e: {  	[sflag:s2] =	ssyncset.done $0x0  }
0x5f: {  	[sflag:s2] =	ssyncadd.s32 $0xFFFFC000  }
0x60: {  	[spmem:s4] =	stream.indirect.scatter.add.f32 [tilespmem:s1], [sflag:$0x3], $0x1, s7, s8, $0xb8;
	[tilespmem:$0x1C780] =	vst v63  }
0x61: {  	_ =	swait.ge [sflag:s2], $0x80  }
0x62: {  	[sflag:s2] =	ssyncset.done $0x0  }
0x63: {  	s17 =	sadd.s32 $0x0, s21;
	[sflag:s2] =	ssyncadd.s32 $0xFFFFFF80  }
0x64: {  	[tilespmem:s5], [sflag:$0x3] =	stream.linear.gather [hbm4b:s17+s5], $0x80, $0x38;
	[tilespmem:$0x1C780] =	vst v63  }
0x65: {  	_ =	swait.ge [sflag:s2], $0x80  }
0x66: {  	[sflag:s2] =	ssyncset.done $0x0  }
0x67: {  	s22 =	sadd.s32 $0x0, s20;
	[sflag:s2] =	ssyncadd.s32 $0xFFFFFF80  }
0x68: {  	[tilespmem:s7], [sflag:$0x3] =	stream.linear.gather [hbm4b:s22+s5], $0x80, $0x38;
	[tilespmem:$0x1C780] =	vst v63  }
0x69: {  	_ =	swait.ge [sflag:s2], $0x80  }
0x6a: {  	[sflag:s2] =	ssyncset.done $0x0  }
0x6b: {  	[sflag:s2] =	ssyncadd.s32 $0xFFFFFF80  }
0x6c: {  	[tilespmem:s31], [sflag:$0x1] =	stream.indirect.gather [hbm4b:s0+s8], $0x80, s5, s8, $0xb8;
	[tilespmem:$0x1C780] =	vst v63  }
0x6d: {  	_ =	swait.ge [sflag:s14], $0x4000  }
0x6e: {  	[sflag:s14] =	ssyncset.done $0x0  }
0x6f: {  	[sflag:s14] =	ssyncadd.s32 $0xFFFFC000  }
0x70: {  	[spmem:s3] =	stream.indirect.scatter.add.f32 [tilespmem:s12], [sflag:$0x3], $0x80, s11, s8, $0xb8;
	[tilespmem:$0x1C780] =	vst v63  }
0x71: {  	_ =	swait.ge [sflag:s2], $0x4000  }
0x72: {  	[sflag:s2] =	ssyncset.done $0x0  }
0x73: {  	[sflag:s2] =	ssyncadd.s32 $0xFFFFC000  }
0x74: {  	[spmem:s4] =	stream.indirect.scatter.add.f32 [tilespmem:s1], [sflag:$0x3], $0x1, s11, s8, $0xb8;
	[tilespmem:$0x1C780] =	vst v63  }
0x75: {  	_ =	swait.ge [sflag:s2], $0x80  }
0x76: {  	[sflag:s2] =	ssyncset.done $0x0  }
0x77: {  	s17 =	sadd.s32 $0x0, s19;
	[sflag:s2] =	ssyncadd.s32 $0xFFFFFF80  }
0x78: {  	[tilespmem:s8], [sflag:$0x3] =	stream.linear.gather [hbm4b:s17+s5], $0x80, $0x38;
	[tilespmem:$0x1C780] =	vst v63  }
0x79: {  	_ =	swait.ge [sflag:s2], $0x80  }
0x7a: {  	[sflag:s2] =	ssyncset.done $0x0  }
0x7b: {  	s22 =	sadd.s32 $0x0, s18;
	[sflag:s2] =	ssyncadd.s32 $0xFFFFFF80  }
0x7c: {  	[tilespmem:s11], [sflag:$0x3] =	stream.linear.gather [hbm4b:s22+s5], $0x80, $0x38;
	[tilespmem:$0x1C780] =	vst v63  }
0x7d: {  	_ =	swait.ge [sflag:s2], $0x80  }
0x7e: {  	[sflag:s2] =	ssyncset.done $0x0  }
0x7f: {  	s16 =	simm.s32 $0x20;
	[sflag:s2] =	ssyncadd.s32 $0xFFFFFF80  }
.LBB2_2:
0x80: {  	[tilespmem:s12], [sflag:$0x2] =	stream.indirect.gather [hbm4b:s0+s8], $0x80, s8, s8, $0xb8;
	[tilespmem:$0x1C780] =	vst v63  }
0x81: {  	s17 =	smov.u32 s16  }
0x82: {  	p0 =	sne.s32 s16, $0x4C0;
	s16 =	sadd.s32 $0x20, s16;
	_ =	swait.ge [sflag:s13], $0x4000  }
0x83: {  	[sflag:s13] =	ssyncset.done $0x0  }
0x84: {  	[sflag:s13] =	ssyncadd.s32 $0xFFFFC000  }
0x85: {  	[spmem:s3] =	stream.indirect.scatter.add.f32 [tilespmem:s31], [sflag:$0x3], $0x80, s7, s8, $0xb8;
	[tilespmem:$0x1C780] =	vst v63  }
0x86: {  	_ =	swait.ge [sflag:s2], $0x4000  }
0x87: {  	[sflag:s2] =	ssyncset.done $0x0  }
0x88: {  	[sflag:s2] =	ssyncadd.s32 $0xFFFFC000  }
0x89: {  	[spmem:s4] =	stream.indirect.scatter.add.f32 [tilespmem:s1], [sflag:$0x3], $0x1, s7, s8, $0xb8;
	[tilespmem:$0x1C780] =	vst v63  }
0x8a: {  	_ =	swait.ge [sflag:s2], $0x80  }
0x8b: {  	[sflag:s2] =	ssyncset.done $0x0  }
0x8c: {  	s22 =	sadd.s32 s17, s21;
	[sflag:s2] =	ssyncadd.s32 $0xFFFFFF80  }
0x8d: {  	[tilespmem:s5], [sflag:$0x3] =	stream.linear.gather [hbm4b:s22+s5], $0x80, $0x38;
	[tilespmem:$0x1C780] =	vst v63  }
0x8e: {  	_ =	swait.ge [sflag:s2], $0x80  }
0x8f: {  	[sflag:s2] =	ssyncset.done $0x0  }
0x90: {  	s22 =	sadd.s32 s17, s20;
	[sflag:s2] =	ssyncadd.s32 $0xFFFFFF80  }
0x91: {  	[tilespmem:s7], [sflag:$0x3] =	stream.linear.gather [hbm4b:s22+s5], $0x80, $0x38;
	[tilespmem:$0x1C780] =	vst v63  }
0x92: {  	_ =	swait.ge [sflag:s2], $0x80  }
0x93: {  	[sflag:s2] =	ssyncset.done $0x0  }
0x94: {  	[sflag:s2] =	ssyncadd.s32 $0xFFFFFF80  }
0x95: {  	[tilespmem:s31], [sflag:$0x1] =	stream.indirect.gather [hbm4b:s0+s8], $0x80, s5, s8, $0xb8;
	[tilespmem:$0x1C780] =	vst v63  }
0x96: {  	_ =	swait.ge [sflag:s14], $0x4000  }
0x97: {  	[sflag:s14] =	ssyncset.done $0x0  }
0x98: {  	[sflag:s14] =	ssyncadd.s32 $0xFFFFC000  }
0x99: {  	[spmem:s3] =	stream.indirect.scatter.add.f32 [tilespmem:s12], [sflag:$0x3], $0x80, s11, s8, $0xb8;
	[tilespmem:$0x1C780] =	vst v63  }
0x9a: {  	_ =	swait.ge [sflag:s2], $0x4000  }
0x9b: {  	[sflag:s2] =	ssyncset.done $0x0  }
0x9c: {  	[sflag:s2] =	ssyncadd.s32 $0xFFFFC000  }
0x9d: {  	[spmem:s4] =	stream.indirect.scatter.add.f32 [tilespmem:s1], [sflag:$0x3], $0x1, s11, s8, $0xb8;
	[tilespmem:$0x1C780] =	vst v63  }
0x9e: {  	_ =	swait.ge [sflag:s2], $0x80  }
0x9f: {  	[sflag:s2] =	ssyncset.done $0x0  }
0xa0: {  	s22 =	sadd.s32 s17, s19;
	[sflag:s2] =	ssyncadd.s32 $0xFFFFFF80  }
0xa1: {  	[tilespmem:s8], [sflag:$0x3] =	stream.linear.gather [hbm4b:s22+s5], $0x80, $0x38;
	[tilespmem:$0x1C780] =	vst v63  }
0xa2: {  	_ =	swait.ge [sflag:s2], $0x80  }
0xa3: {  	[sflag:s2] =	ssyncset.done $0x0  }
.Ltmp0:
0xa4: {  	s17 =	sadd.s32 s17, s18;
	[sflag:s2] =	ssyncadd.s32 $0xFFFFFF80;
	(pc) =	sbr.rel @p0 .LBB2_2-.Ltmp0, $4  }
0xa5: {  	[tilespmem:s11], [sflag:$0x3] =	stream.linear.gather [hbm4b:s17+s5], $0x80, $0x38;
	[tilespmem:$0x1C780] =	vst v63  }
0xa6: {  	_ =	swait.ge [sflag:s2], $0x80  }
0xa7: {  	[sflag:s2] =	ssyncset.done $0x0  }
0xa8: {  	[sflag:s2] =	ssyncadd.s32 $0xFFFFFF80  }
0xa9: {  	[tilespmem:s12], [sflag:$0x2] =	stream.indirect.gather [hbm4b:s0+s8], $0x80, s8, s8, $0xb8;
	[tilespmem:$0x1C780] =	vst v63  }
0xaa: {  	_ =	swait.ge [sflag:s13], $0x4000  }
0xab: {  	[sflag:s13] =	ssyncset.done $0x0  }
0xac: {  	[sflag:s13] =	ssyncadd.s32 $0xFFFFC000  }
0xad: {  	[spmem:s3] =	stream.indirect.scatter.add.f32 [tilespmem:s31], [sflag:$0x3], $0x80, s7, s8, $0xb8;
	[tilespmem:$0x1C780] =	vst v63  }
0xae: {  	_ =	swait.ge [sflag:s2], $0x4000  }
0xaf: {  	[sflag:s2] =	ssyncset.done $0x0  }
0xb0: {  	[sflag:s2] =	ssyncadd.s32 $0xFFFFC000  }
0xb1: {  	[spmem:s4] =	stream.indirect.scatter.add.f32 [tilespmem:s1], [sflag:$0x3], $0x1, s7, s8, $0xb8;
	[tilespmem:$0x1C780] =	vst v63  }
0xb2: {  	_ =	swait.ge [sflag:s2], $0x80  }
0xb3: {  	[sflag:s2] =	ssyncset.done $0x0  }
0xb4: {  	[sflag:s2] =	ssyncadd.s32 $0xFFFFFF80  }
0xb5: {  	_ =	swait.ge [sflag:s14], $0x4000  }
0xb6: {  	[sflag:s14] =	ssyncset.done $0x0  }
0xb7: {  	[sflag:s14] =	ssyncadd.s32 $0xFFFFC000  }
0xb8: {  	[spmem:s3] =	stream.indirect.scatter.add.f32 [tilespmem:s12], [sflag:$0x3], $0x80, s11, s8, $0xb8;
	[tilespmem:$0x1C780] =	vst v63  }
0xb9: {  	_ =	swait.ge [sflag:s2], $0x4000  }
0xba: {  	[sflag:s2] =	ssyncset.done $0x0  }
0xbb: {  	[sflag:s2] =	ssyncadd.s32 $0xFFFFC000  }
0xbc: {  	[spmem:s4] =	stream.indirect.scatter.add.f32 [tilespmem:s1], [sflag:$0x3], $0x1, s11, s8, $0xb8;
	[tilespmem:$0x1C780] =	vst v63  }
0xbd: {  	_ =	swait.ge [sflag:s2], $0x80  }
0xbe: {  	[sflag:s2] =	ssyncset.done $0x0  }
0xbf: {  	[sflag:s2] =	ssyncadd.s32 $0xFFFFFF80  }
0xc0: {  	[bflag:$0x0] =	sbarrier.arrive $0xFFFF  }
0xc1: {  	[tilespmem:s31], [sflag:$0x3] =	stream.linear.gather [spmem:s9], $0x4000, $0x38;
	[tilespmem:$0x1C780] =	vst v63  }
0xc2: {  	_ =	swait.ge [sflag:s2], $0x4000  }
0xc3: {  	[sflag:s2] =	ssyncset.done $0x0  }
0xc4: {  	s16 =	rddreg [dreg:$0xd];
	[sflag:s2] =	ssyncadd.s32 $0xFFFFC000  }
0xc5: {  	[hbm4b:s16+s5] =	stream.linear.scatter [tilespmem:s31], [sflag:$0x3], $0x4000, $0x38;
	[tilespmem:$0x1C780] =	vst v63  }
0xc6: {  	_ =	swait.ge [sflag:s2], $0x4000  }
0xc7: {  	[sflag:s2] =	ssyncset.done $0x0  }
0xc8: {  	[sflag:s2] =	ssyncadd.s32 $0xFFFFC000  }
0xc9: {  	[tilespmem:s31], [sflag:$0x3] =	stream.linear.gather [spmem:s26], $0x4000, $0x38;
	[tilespmem:$0x1C780] =	vst v63  }
0xca: {  	_ =	swait.ge [sflag:s2], $0x4000  }
0xcb: {  	[sflag:s2] =	ssyncset.done $0x0  }
0xcc: {  	s22 =	rddreg [dreg:$0xe];
	[sflag:s2] =	ssyncadd.s32 $0xFFFFC000  }
0xcd: {  	[hbm4b:s22+s5] =	stream.linear.scatter [tilespmem:s31], [sflag:$0x3], $0x4000, $0x38;
	[tilespmem:$0x1C780] =	vst v63  }
0xce: {  	_ =	swait.ge [sflag:s2], $0x4000  }
0xcf: {  	[sflag:s2] =	ssyncset.done $0x0  }
0xd0: {  	[sflag:s2] =	ssyncadd.s32 $0xFFFFC000  }
0xd1: {  	[tilespmem:s31], [sflag:$0x3] =	stream.linear.gather [spmem:s28], $0x4000, $0x38;
	[tilespmem:$0x1C780] =	vst v63  }
0xd2: {  	_ =	swait.ge [sflag:s2], $0x4000  }
0xd3: {  	[sflag:s2] =	ssyncset.done $0x0  }
0xd4: {  	s17 =	rddreg [dreg:$0xf];
	[sflag:s2] =	ssyncadd.s32 $0xFFFFC000  }
0xd5: {  	[hbm4b:s17+s5] =	stream.linear.scatter [tilespmem:s31], [sflag:$0x3], $0x4000, $0x38;
	[tilespmem:$0x1C780] =	vst v63  }
0xd6: {  	_ =	swait.ge [sflag:s2], $0x4000  }
0xd7: {  	[sflag:s2] =	ssyncset.done $0x0  }
0xd8: {  	[sflag:s2] =	ssyncadd.s32 $0xFFFFC000  }
0xd9: {  	[tilespmem:s31], [sflag:$0x3] =	stream.linear.gather [spmem:s29], $0x4000, $0x38;
	[tilespmem:$0x1C780] =	vst v63  }
0xda: {  	_ =	swait.ge [sflag:s2], $0x4000  }
0xdb: {  	[sflag:s2] =	ssyncset.done $0x0  }
0xdc: {  	s22 =	rddreg [dreg:$0x10];
	[sflag:s2] =	ssyncadd.s32 $0xFFFFC000  }
0xdd: {  	[hbm4b:s22+s5] =	stream.linear.scatter [tilespmem:s31], [sflag:$0x3], $0x4000, $0x38;
	[tilespmem:$0x1C780] =	vst v63  }
0xde: {  	_ =	swait.ge [sflag:s2], $0x4000  }
0xdf: {  	[sflag:s2] =	ssyncset.done $0x0  }
0xe0: {  	[sflag:s2] =	ssyncadd.s32 $0xFFFFC000  }
0xe1: {  	[tilespmem:s31], [sflag:$0x3] =	stream.linear.gather [spmem:s30], $0x4000, $0x38;
	[tilespmem:$0x1C780] =	vst v63  }
0xe2: {  	_ =	swait.ge [sflag:s2], $0x4000  }
0xe3: {  	[sflag:s2] =	ssyncset.done $0x0  }
0xe4: {  	[sflag:s2] =	ssyncadd.s32 $0xFFFFC000  }
0xe5: {  	[hbm4b:s23+s5] =	stream.linear.scatter [tilespmem:s31], [sflag:$0x3], $0x4000, $0x38;
	[tilespmem:$0x1C780] =	vst v63  }
0xe6: {  	_ =	swait.ge [sflag:s2], $0x4000  }
0xe7: {  	[sflag:s2] =	ssyncset.done $0x0  }
0xe8: {  	[sflag:s2] =	ssyncadd.s32 $0xFFFFC000  }
0xe9: {  	[tilespmem:s6], [sflag:$0x3] =	stream.linear.gather [spmem:s10], $0x280, $0x38;
	[tilespmem:$0x1C780] =	vst v63  }
0xea: {  	s15 =	sadd.s32 $0x1, s15;
	_ =	swait.ge [sflag:s2], $0x280  }
0xeb: {  	p0 =	sne.s32 s15, s25;
	[sflag:s2] =	ssyncset.done $0x0  }
.Ltmp1:
0xec: {  	[sflag:s2] =	ssyncadd.s32 $0xFFFFFD80;
	(pc) =	sbr.rel @p0 .LBB2_1-.Ltmp1, $4  }
0xed: {  	[hbm4b:s24+s5] =	stream.linear.scatter [tilespmem:s6], [sflag:$0x3], $0x280, $0x38;
	[tilespmem:$0x1C780] =	vst v63  }
0xee: {  	_ =	swait.ge [sflag:s2], $0x280  }
0xef: {  	[sflag:s2] =	ssyncset.done $0x0  }
0xf0: {  	[sflag:s2] =	ssyncadd.s32 $0xFFFFFD80  }
0xf1: {  	_ =	sfence.sel $0x180000  }
0xf2: {  	[bflag:$0x0] =	sbarrier.arrive $0xFFFF  }
0xf3: {  	_ =	strace $0x90000047  }
0xf4: {  	s0 =	stileid.u32;
	[bflag:$0x2] =	sbarrier.arrive $0xFFFF  }
0xf5: {  	p0 =	sne.s32 s0, $0x0;
	s0 =	rddreg [dreg:$0x5]  }
0xf6: {  	s0 =	sadd.s32 @!p0 $0x100000, s0  }
0xf7: {  	[sflag:s0] =	ssyncadd.tile.s32 @!p0 $0x1;
	_ =	shalt  }
.Lfunc_end2:
_tile_overlayer_lowered:
.L_overlay_start_2:
0xf8: {  	(tag) =	ssettag $0x2  }
0xf9: {  	s0 =	rddreg [dreg:$0x0];
	s2 =	stileid.u32  }
0xfa: {  	s1 =	rddreg [dreg:$0x1];
	p0 =	sne.s32 s2, $0x0  }
0xfb: {  	s3 =	rddreg [dreg:$0x2];
	[bflag:$0x3] =	sbarrier.arrive $0xFFFF;
	s2 =	simm.s32 @!p0 $0x1C03  }
0xfc: {  	[timem:s3], [sflag:s2] =	dma.local @!p0 [hbm:s0], s1  }
0xfd: {  	s0 =	simm.s32 @!p0 $0x3  }
0xfe: {  	_ =	swait.ge @!p0 [sflag:s0], s1  }
0xff: {  	s1 =	ssub.s32 @!p0 $0x0, s1;
	[sflag:s0] =	ssyncset.done @!p0 $0x0  }
0x100: {  	[sflag:s0] =	ssyncadd.s32 @!p0 s1  }
0x101: {  	[bflag:$0x3] =	sbarrier.arrive $0xFFFF  }
0x102: {  	_ =	shalt  }

</sc_bundles>
